<compile_context>
chip_gen: v7x
topology: tpu7x:2x2x1
jax: 0.10.2.dev20260603
libtpu: 0.0.44.dev20260713+nightly
codegen_flags: <defaults>
</compile_context>

<pallas_src>
import functools

import jax
import jax.numpy as jnp
from jax import lax
from jax.experimental import pallas as pl
from jax.experimental.pallas import tpu as pltpu
from jax.experimental.pallas import tpu_sc as plsc

N_STRUCTURES = 1024
TAB_PAD = 128
LANES = 16
ROW = 256


def _make_sc_partials(n_atoms, n_species):
    info = plsc.get_sparse_core_info()
    nc, ns = info.num_cores, info.num_subcores
    nw = nc * ns
    assert n_atoms % ROW == 0
    n_rows = n_atoms // ROW
    rows_w = n_rows // nw
    tail_rows = n_rows - rows_w * nw
    assert tail_rows <= nw

    chunk_rows = rows_w
    for cand in (100, 96, 90, 80, 78, 75, 65, 64, 60, 50, 40, 39, 32, 30,
                 26, 25, 20, 16, 15, 13, 10, 8, 6, 5, 4, 3, 2, 1):
        if rows_w % cand == 0:
            chunk_rows = cand
            break
    n_chunks = rows_w // chunk_rows
    vec_per_chunk = chunk_rows * (ROW // LANES)
    idx_len = ((chunk_rows + LANES - 1) // LANES) * LANES

    mesh = plsc.VectorSubcoreMesh(core_axis_name="c", subcore_axis_name="s")

    @functools.partial(
        pl.kernel,
        mesh=mesh,
        out_type=jax.ShapeDtypeStruct((nw, N_STRUCTURES), jnp.float32),
        compiler_params=pltpu.CompilerParams(
            needs_layout_passes=False, use_tc_tiling_on_sc=False
        ),
        scratch_types=[
            pltpu.VMEM((chunk_rows, ROW), jnp.float32),
            pltpu.VMEM((chunk_rows, ROW), jnp.int32),
            pltpu.VMEM((chunk_rows, ROW), jnp.int32),
            pltpu.VMEM((chunk_rows, ROW), jnp.float32),
            pltpu.VMEM((chunk_rows, ROW), jnp.int32),
            pltpu.VMEM((chunk_rows, ROW), jnp.int32),
            pltpu.VMEM((idx_len,), jnp.int32),
            pltpu.VMEM((idx_len,), jnp.int32),
            pltpu.VMEM((1, ROW), jnp.float32),
            pltpu.VMEM((1, ROW), jnp.int32),
            pltpu.VMEM((1, ROW), jnp.int32),
            pltpu.VMEM((TAB_PAD,), jnp.float32),
            pltpu.VMEM((TAB_PAD,), jnp.float32),
            pltpu.VMEM((N_STRUCTURES * LANES,), jnp.float32),
            pltpu.VMEM((N_STRUCTURES,), jnp.float32),
            pltpu.SemaphoreType.DMA,
            pltpu.SemaphoreType.DMA,
            pltpu.SemaphoreType.DMA,
        ],
    )
    def sc_kernel(e_hbm, z_hbm, b_hbm, scale_hbm, shift_hbm, out_hbm,
                  e0, z0, b0, e1, z1, b1, idx0, idx1, et, zt, bt,
                  scale_v, shift_v, accx_v, acc_v, sem0, sem1, semt):
        sid = lax.axis_index("s")
        wid = sid * nc + lax.axis_index("c")
        row_base = wid * rows_w
        bufs = ((e0, z0, b0), (e1, z1, b1))
        idxs = (idx0, idx1)
        sems = (sem0, sem1)

        def start_chunk(ci, p):
            r0 = row_base + ci * chunk_rows
            for k in range(idx_len // LANES):
                idxs[p][pl.ds(k * LANES, LANES)] = (
                    lax.iota(jnp.int32, LANES) + (r0 + k * LANES)
                )
            rows = idxs[p].at[pl.ds(0, chunk_rows)]
            return (
                pltpu.async_copy(e_hbm.at[rows], bufs[p][0], sems[p]),
                pltpu.async_copy(z_hbm.at[rows], bufs[p][1], sems[p]),
                pltpu.async_copy(b_hbm.at[rows], bufs[p][2], sems[p]),
            )

        in_flight = start_chunk(0, 0)

        pltpu.sync_copy(scale_hbm, scale_v.at[pl.ds(0, n_species)])
        pltpu.sync_copy(shift_hbm, shift_v.at[pl.ds(0, n_species)])

        zeros16 = jnp.zeros((LANES,), jnp.float32)

        @plsc.parallel_loop(0, N_STRUCTURES * LANES, LANES, unroll=8)
        def _(off):
            accx_v[pl.ds(off, LANES)] = zeros16

        lane = lax.iota(jnp.int32, LANES)

        def process(e_v, z_v, b_v, nvec):
            @plsc.parallel_loop(0, nvec, 1, unroll=8)
            def _(j):
                r = j // (ROW // LANES)
                c = (j % (ROW // LANES)) * LANES
                e = e_v[r, pl.ds(c, LANES)]
                z = z_v[r, pl.ds(c, LANES)]
                b = b_v[r, pl.ds(c, LANES)]
                sc = plsc.load_gather(scale_v, [z])
                sh = plsc.load_gather(shift_v, [z])
                bank = (lane + j) & (LANES - 1)
                plsc.addupdate_scatter(
                    accx_v, [(b * LANES) + bank], e * sc + sh
                )

        for ci in range(n_chunks):
            p = ci % 2
            for d in in_flight:
                d.wait()
            if ci + 1 < n_chunks:
                in_flight = start_chunk(ci + 1, (ci + 1) % 2)
            e_v, z_v, b_v = bufs[p]
            process(e_v, z_v, b_v, vec_per_chunk)

        if tail_rows:
            @pl.when(wid < tail_rows)
            def _():
                tr = nw * rows_w + wid
                idx0[pl.ds(0, LANES)] = lax.iota(jnp.int32, LANES) + tr
                rows = idx0.at[pl.ds(0, 1)]
                d1 = pltpu.async_copy(e_hbm.at[rows], et, semt)
                d2 = pltpu.async_copy(z_hbm.at[rows], zt, semt)
                d3 = pltpu.async_copy(b_hbm.at[rows], bt, semt)
                d1.wait()
                d2.wait()
                d3.wait()
                process(et, zt, bt, ROW // LANES)

        @plsc.parallel_loop(0, N_STRUCTURES // LANES, 1, unroll=4)
        def _(t):
            srow = (lane + t * LANES) * LANES
            tot = plsc.load_gather(accx_v, [srow])
            for jj in range(1, LANES):
                tot = tot + plsc.load_gather(accx_v, [srow + jj])
            acc_v[pl.ds(t * LANES, LANES)] = tot

        pltpu.sync_copy(acc_v, out_hbm.at[wid])

    return sc_kernel, nw


def _sum_partials_body(p_ref, o_ref):
    o_ref[:] = jnp.sum(p_ref[:], axis=0)


def kernel(local_energies, Z, batch, shift, scale):
    n_atoms = local_energies.shape[0]
    e2 = local_energies.reshape(-1, ROW)
    z2 = Z.reshape(-1, ROW)
    b2 = batch.reshape(-1, ROW)

    sc_kernel, nw = _make_sc_partials(n_atoms, scale.shape[0])
    partials = sc_kernel(e2, z2, b2, scale, shift)

    total = pl.pallas_call(
        _sum_partials_body,
        out_shape=jax.ShapeDtypeStruct((N_STRUCTURES,), jnp.float32),
    )(partials)
    return total

# --- scband reference (transcript-rebuilt; emitter-appended) ---
"""Pipeline reference for scband-graph-pesmodel-78761110274260 (READ-ONLY COPY).

The authoritative reference and input builder live on the scoring server;
editing this copy changes nothing except your own understanding.
"""

import jax, jax.numpy as jnp
import numpy as np

N = 1600000
N_SPECIES = 100
N_STRUCTURES = 1024


def setup_inputs(seed: int = 0) -> dict:
    key = jax.random.key(seed)
    k1, k2, k3, k4, k5 = jax.random.split(key, 5)
    local_energies = jax.random.normal(k1, (N,), dtype=jnp.float32)
    Z = jax.random.randint(k2, (N,), 0, N_SPECIES, dtype=jnp.int32)
    batch = jnp.sort(jax.random.randint(k3, (N,), 0, N_STRUCTURES, dtype=jnp.int32))
    # learned per-species transform parameters (PerAtomShift / PerAtomScale)
    shift = jax.random.normal(k4, (N_SPECIES,), dtype=jnp.float32) * 0.1
    scale = jax.random.uniform(k5, (N_SPECIES,), dtype=jnp.float32) + 0.5
    return {"local_energies": local_energies, "Z": Z, "batch": batch, "shift": shift, "scale": scale}


def reference(local_energies, Z, batch, shift, scale):
    # EnergySummation.forward:
    # 1) local_transform.inverse: per-species scale then shift (gather by atomic number)
    per_atom = local_energies * jnp.take(scale, Z, axis=0) + jnp.take(shift, Z, axis=0)
    # 2) sum_per_structure: segment-sum of per-atom energies by structure id
    total_E = jax.ops.segment_sum(per_atom, batch, num_segments=N_STRUCTURES)
    # 3) total_transform is Identity
    return total_E

if __name__ == "__main__":
    import jax
    _d = setup_inputs()
    print(jax.jit(kernel)(*tuple(_d.values())))

</pallas_src>

<mosaic_0001>
#map = affine_map<(d0, d1) -> (0, 0)>
#map1 = affine_map<(d0, d1) -> (0)>
module attributes {stable_mosaic.version = 14 : i64} {
  func.func @sc_kernel(%arg0: i32, %arg1: i32, %arg2: memref<6250x256xf32, #tpu.memory_space<hbm>>, %arg3: memref<6250x256xi32, #tpu.memory_space<hbm>>, %arg4: memref<6250x256xi32, #tpu.memory_space<hbm>>, %arg5: memref<100xf32, #tpu.memory_space<hbm>>, %arg6: memref<100xf32, #tpu.memory_space<hbm>>, %arg7: memref<32x1024xf32, #tpu.memory_space<hbm>>, %arg8: memref<65x256xf32, #tpu.memory_space<vmem>>, %arg9: memref<65x256xi32, #tpu.memory_space<vmem>>, %arg10: memref<65x256xi32, #tpu.memory_space<vmem>>, %arg11: memref<65x256xf32, #tpu.memory_space<vmem>>, %arg12: memref<65x256xi32, #tpu.memory_space<vmem>>, %arg13: memref<65x256xi32, #tpu.memory_space<vmem>>, %arg14: memref<80xi32, #tpu.memory_space<vmem>>, %arg15: memref<80xi32, #tpu.memory_space<vmem>>, %arg16: memref<1x256xf32, #tpu.memory_space<vmem>>, %arg17: memref<1x256xi32, #tpu.memory_space<vmem>>, %arg18: memref<1x256xi32, #tpu.memory_space<vmem>>, %arg19: memref<128xf32, #tpu.memory_space<vmem>>, %arg20: memref<128xf32, #tpu.memory_space<vmem>>, %arg21: memref<16384xf32, #tpu.memory_space<vmem>>, %arg22: memref<1024xf32, #tpu.memory_space<vmem>>, %arg23: memref<!tpu.dma_semaphore, #tpu.memory_space<semaphore_mem>>, %arg24: memref<!tpu.dma_semaphore, #tpu.memory_space<semaphore_mem>>, %arg25: memref<!tpu.dma_semaphore, #tpu.memory_space<semaphore_mem>>) attributes {dimension_semantics = [#tpu.dimension_semantics<core_parallel>, #tpu.dimension_semantics<subcore_parallel>], iteration_bounds = array<i64: 2, 16>, scalar_prefetch = 0 : i64, scratch_operands = 18 : i64, tpu.core_type = #tpu.core_type<sc_vector_subcore>, window_params = [{transform_indices = #map}, {transform_indices = #map}, {transform_indices = #map}, {transform_indices = #map1}, {transform_indices = #map1}, {transform_indices = #map}]} {
    %mul3A = arith.constant 2 : i32
    %mul3A_0 = arith.muli %arg1, %mul3A : i32
    %add3A = arith.addi %mul3A_0, %arg0 : i32
    %mul3A_1 = arith.constant 195 : i32
    %mul3A_2 = arith.muli %add3A, %mul3A_1 : i32
    %add3A_3 = arith.constant 0 : i32
    %add3A_4 = arith.addi %mul3A_2, %add3A_3 : i32
    %iota3A = tpu.iota {dimensions = array<i32: 0>} : vector<16xi32>
    %add3A_5 = arith.constant 0 : i32
    %add3A_6 = arith.addi %add3A_4, %add3A_5 : i32
    %add3A_7 = vector.broadcast %add3A_6 : i32 to vector<16xi32>
    %add3A_8 = arith.addi %iota3A, %add3A_7 : vector<16xi32>
    %swap3A = arith.constant 0 : index
    %swap3A_9 = tpu.vector_load %arg14[%swap3A] {strides = array<i32>} : memref<80xi32, #tpu.memory_space<vmem>>, vector<16xi32>,
    tpu.vector_store %arg14[%swap3A], %add3A_8 {strides = array<i32>} : memref<80xi32, #tpu.memory_space<vmem>>, vector<16xi32>,
    %iota3A_10 = tpu.iota {dimensions = array<i32: 0>} : vector<16xi32>
    %add3A_11 = arith.constant 16 : i32
    %add3A_12 = arith.addi %add3A_4, %add3A_11 : i32
    %add3A_13 = vector.broadcast %add3A_12 : i32 to vector<16xi32>
    %add3A_14 = arith.addi %iota3A_10, %add3A_13 : vector<16xi32>
    %swap3A_15 = arith.constant 16 : index
    %swap3A_16 = tpu.vector_load %arg14[%swap3A_15] {strides = array<i32>} : memref<80xi32, #tpu.memory_space<vmem>>, vector<16xi32>,
    tpu.vector_store %arg14[%swap3A_15], %add3A_14 {strides = array<i32>} : memref<80xi32, #tpu.memory_space<vmem>>, vector<16xi32>,
    %iota3A_17 = tpu.iota {dimensions = array<i32: 0>} : vector<16xi32>
    %add3A_18 = arith.constant 32 : i32
    %add3A_19 = arith.addi %add3A_4, %add3A_18 : i32
    %add3A_20 = vector.broadcast %add3A_19 : i32 to vector<16xi32>
    %add3A_21 = arith.addi %iota3A_17, %add3A_20 : vector<16xi32>
    %swap3A_22 = arith.constant 32 : index
    %swap3A_23 = tpu.vector_load %arg14[%swap3A_22] {strides = array<i32>} : memref<80xi32, #tpu.memory_space<vmem>>, vector<16xi32>,
    tpu.vector_store %arg14[%swap3A_22], %add3A_21 {strides = array<i32>} : memref<80xi32, #tpu.memory_space<vmem>>, vector<16xi32>,
    %iota3A_24 = tpu.iota {dimensions = array<i32: 0>} : vector<16xi32>
    %add3A_25 = arith.constant 48 : i32
    %add3A_26 = arith.addi %add3A_4, %add3A_25 : i32
    %add3A_27 = vector.broadcast %add3A_26 : i32 to vector<16xi32>
    %add3A_28 = arith.addi %iota3A_24, %add3A_27 : vector<16xi32>
    %swap3A_29 = arith.constant 48 : index
    %swap3A_30 = tpu.vector_load %arg14[%swap3A_29] {strides = array<i32>} : memref<80xi32, #tpu.memory_space<vmem>>, vector<16xi32>,
    tpu.vector_store %arg14[%swap3A_29], %add3A_28 {strides = array<i32>} : memref<80xi32, #tpu.memory_space<vmem>>, vector<16xi32>,
    %iota3A_31 = tpu.iota {dimensions = array<i32: 0>} : vector<16xi32>
    %add3A_32 = arith.constant 64 : i32
    %add3A_33 = arith.addi %add3A_4, %add3A_32 : i32
    %add3A_34 = vector.broadcast %add3A_33 : i32 to vector<16xi32>
    %add3A_35 = arith.addi %iota3A_31, %add3A_34 : vector<16xi32>
    %swap3A_36 = arith.constant 64 : index
    %swap3A_37 = tpu.vector_load %arg14[%swap3A_36] {strides = array<i32>} : memref<80xi32, #tpu.memory_space<vmem>>, vector<16xi32>,
    tpu.vector_store %arg14[%swap3A_36], %add3A_35 {strides = array<i32>} : memref<80xi32, #tpu.memory_space<vmem>>, vector<16xi32>,
    %dma_start3A = arith.constant 0 : i32
    %dma_start3A_38 = tpu.memref_slice %arg14[%dma_start3A] : memref<80xi32, #tpu.memory_space<vmem>> -> memref<65xi32, #tpu.memory_space<vmem>>
    %dma_start3A_39 = arith.constant 0 : i32
    %dma_start3A_40 = arith.constant 0 : i32
    %dma_start3A_41 = tpu.memref_slice %arg2[%dma_start3A_39, %dma_start3A_40] : memref<6250x256xf32, #tpu.memory_space<hbm>> -> memref<6250x256xf32, #tpu.memory_space<hbm>>
    tpu.enqueue_indirect_dma source(%dma_start3A_41 : memref<6250x256xf32, #tpu.memory_space<hbm>>) target(%arg8 : memref<65x256xf32, #tpu.memory_space<vmem>>) offsets(%dma_start3A_38 : memref<65xi32, #tpu.memory_space<vmem>>) semaphore(%arg23 : memref<!tpu.dma_semaphore, #tpu.memory_space<semaphore_mem>>)
    %dma_start3A_42 = arith.constant 0 : i32
    %dma_start3A_43 = tpu.memref_slice %arg14[%dma_start3A_42] : memref<80xi32, #tpu.memory_space<vmem>> -> memref<65xi32, #tpu.memory_space<vmem>>
    %dma_start3A_44 = arith.constant 0 : i32
    %dma_start3A_45 = arith.constant 0 : i32
    %dma_start3A_46 = tpu.memref_slice %arg3[%dma_start3A_44, %dma_start3A_45] : memref<6250x256xi32, #tpu.memory_space<hbm>> -> memref<6250x256xi32, #tpu.memory_space<hbm>>
    tpu.enqueue_indirect_dma source(%dma_start3A_46 : memref<6250x256xi32, #tpu.memory_space<hbm>>) target(%arg9 : memref<65x256xi32, #tpu.memory_space<vmem>>) offsets(%dma_start3A_43 : memref<65xi32, #tpu.memory_space<vmem>>) semaphore(%arg23 : memref<!tpu.dma_semaphore, #tpu.memory_space<semaphore_mem>>)
    %dma_start3A_47 = arith.constant 0 : i32
    %dma_start3A_48 = tpu.memref_slice %arg14[%dma_start3A_47] : memref<80xi32, #tpu.memory_space<vmem>> -> memref<65xi32, #tpu.memory_space<vmem>>
    %dma_start3A_49 = arith.constant 0 : i32
    %dma_start3A_50 = arith.constant 0 : i32
    %dma_start3A_51 = tpu.memref_slice %arg4[%dma_start3A_49, %dma_start3A_50] : memref<6250x256xi32, #tpu.memory_space<hbm>> -> memref<6250x256xi32, #tpu.memory_space<hbm>>
    tpu.enqueue_indirect_dma source(%dma_start3A_51 : memref<6250x256xi32, #tpu.memory_space<hbm>>) target(%arg10 : memref<65x256xi32, #tpu.memory_space<vmem>>) offsets(%dma_start3A_48 : memref<65xi32, #tpu.memory_space<vmem>>) semaphore(%arg23 : memref<!tpu.dma_semaphore, #tpu.memory_space<semaphore_mem>>)
    "tpu.region"() ({
      %run_scoped3A = tpu.sem_alloc : memref<!tpu.dma_semaphore, #tpu.memory_space<semaphore_mem>>
      %dma_start3A_218 = arith.constant 0 : i32
      %dma_start3A_219 = tpu.memref_slice %arg19[%dma_start3A_218] : memref<128xf32, #tpu.memory_space<vmem>> -> memref<100xf32, #tpu.memory_space<vmem>>
      %dma_start3A_220 = arith.constant 0 : i32
      %dma_start3A_221 = tpu.memref_slice %arg19[%dma_start3A_220] : memref<128xf32, #tpu.memory_space<vmem>> -> memref<100xf32, #tpu.memory_space<vmem>>
      tpu.enqueue_dma source(%arg5 : memref<100xf32, #tpu.memory_space<hbm>>) target(%dma_start3A_221 : memref<100xf32, #tpu.memory_space<vmem>>) target_semaphore(%run_scoped3A : memref<!tpu.dma_semaphore, #tpu.memory_space<semaphore_mem>>)
      %dma_wait3A_222 = arith.constant 0 : i32
      %dma_wait3A_223 = tpu.memref_slice %arg19[%dma_wait3A_222] : memref<128xf32, #tpu.memory_space<vmem>> -> memref<100xf32, #tpu.memory_space<vmem>>
      %dma_wait3A_224 = arith.constant 0 : i32
      %dma_wait3A_225 = tpu.memref_slice %arg19[%dma_wait3A_224] : memref<128xf32, #tpu.memory_space<vmem>> -> memref<100xf32, #tpu.memory_space<vmem>>
      tpu.wait_dma2 semaphore(%run_scoped3A : memref<!tpu.dma_semaphore, #tpu.memory_space<semaphore_mem>>) src(%arg5 : memref<100xf32, #tpu.memory_space<hbm>>) dst(%dma_wait3A_225 : memref<100xf32, #tpu.memory_space<vmem>>)
      tpu.yield
    }) : () -> ()
    "tpu.region"() ({
      %run_scoped3A = tpu.sem_alloc : memref<!tpu.dma_semaphore, #tpu.memory_space<semaphore_mem>>
      %dma_start3A_218 = arith.constant 0 : i32
      %dma_start3A_219 = tpu.memref_slice %arg20[%dma_start3A_218] : memref<128xf32, #tpu.memory_space<vmem>> -> memref<100xf32, #tpu.memory_space<vmem>>
      %dma_start3A_220 = arith.constant 0 : i32
      %dma_start3A_221 = tpu.memref_slice %arg20[%dma_start3A_220] : memref<128xf32, #tpu.memory_space<vmem>> -> memref<100xf32, #tpu.memory_space<vmem>>
      tpu.enqueue_dma source(%arg6 : memref<100xf32, #tpu.memory_space<hbm>>) target(%dma_start3A_221 : memref<100xf32, #tpu.memory_space<vmem>>) target_semaphore(%run_scoped3A : memref<!tpu.dma_semaphore, #tpu.memory_space<semaphore_mem>>)
      %dma_wait3A_222 = arith.constant 0 : i32
      %dma_wait3A_223 = tpu.memref_slice %arg20[%dma_wait3A_222] : memref<128xf32, #tpu.memory_space<vmem>> -> memref<100xf32, #tpu.memory_space<vmem>>
      %dma_wait3A_224 = arith.constant 0 : i32
      %dma_wait3A_225 = tpu.memref_slice %arg20[%dma_wait3A_224] : memref<128xf32, #tpu.memory_space<vmem>> -> memref<100xf32, #tpu.memory_space<vmem>>
      tpu.wait_dma2 semaphore(%run_scoped3A : memref<!tpu.dma_semaphore, #tpu.memory_space<semaphore_mem>>) src(%arg6 : memref<100xf32, #tpu.memory_space<hbm>>) dst(%dma_wait3A_225 : memref<100xf32, #tpu.memory_space<vmem>>)
      tpu.yield
    }) : () -> ()
    %broadcast_in_dim3A = arith.constant 0.000000e+00 : f32
    %broadcast_in_dim3A_52 = vector.broadcast %broadcast_in_dim3A : f32 to vector<16xf32>
    %parallel_loop3A = arith.constant 0 : i32
    %parallel_loop3A_53 = arith.constant 16384 : i32
    %parallel_loop3A_54 = arith.constant 16 : i32
    scf.for %parallel_loop3A_218 = %parallel_loop3A to %parallel_loop3A_53 step %parallel_loop3A_54  : i32 {
      %parallel_loop3A_219 = arith.index_cast %parallel_loop3A_218 : i32 to index
      %parallel_loop3A_220 = tpu.vector_load %arg21[%parallel_loop3A_219] {strides = array<i32>} : memref<16384xf32, #tpu.memory_space<vmem>>, vector<16xf32>,
      tpu.vector_store %arg21[%parallel_loop3A_219], %broadcast_in_dim3A_52 {strides = array<i32>} : memref<16384xf32, #tpu.memory_space<vmem>>, vector<16xf32>,
    } {sc.loop_unroll_factor = 8 : i64, sc.parallel_access}
    %iota3A_55 = tpu.iota {dimensions = array<i32: 0>} : vector<16xi32>
    %dma_wait3A = arith.constant 0 : i32
    %dma_wait3A_56 = tpu.memref_slice %arg14[%dma_wait3A] : memref<80xi32, #tpu.memory_space<vmem>> -> memref<65xi32, #tpu.memory_space<vmem>>
    %dma_wait3A_57 = arith.constant 0 : i32
    %dma_wait3A_58 = arith.constant 0 : i32
    %dma_wait3A_59 = tpu.memref_slice %arg2[%dma_wait3A_57, %dma_wait3A_58] : memref<6250x256xf32, #tpu.memory_space<hbm>> -> memref<6250x256xf32, #tpu.memory_space<hbm>>
    tpu.wait_indirect_dma semaphore(%arg23 : memref<!tpu.dma_semaphore, #tpu.memory_space<semaphore_mem>>) src(%dma_wait3A_59 : memref<6250x256xf32, #tpu.memory_space<hbm>>) dst(%arg8 : memref<65x256xf32, #tpu.memory_space<vmem>>)
    %dma_wait3A_60 = arith.constant 0 : i32
    %dma_wait3A_61 = tpu.memref_slice %arg14[%dma_wait3A_60] : memref<80xi32, #tpu.memory_space<vmem>> -> memref<65xi32, #tpu.memory_space<vmem>>
    %dma_wait3A_62 = arith.constant 0 : i32
    %dma_wait3A_63 = arith.constant 0 : i32
    %dma_wait3A_64 = tpu.memref_slice %arg3[%dma_wait3A_62, %dma_wait3A_63] : memref<6250x256xi32, #tpu.memory_space<hbm>> -> memref<6250x256xi32, #tpu.memory_space<hbm>>
    tpu.wait_indirect_dma semaphore(%arg23 : memref<!tpu.dma_semaphore, #tpu.memory_space<semaphore_mem>>) src(%dma_wait3A_64 : memref<6250x256xi32, #tpu.memory_space<hbm>>) dst(%arg9 : memref<65x256xi32, #tpu.memory_space<vmem>>)
    %dma_wait3A_65 = arith.constant 0 : i32
    %dma_wait3A_66 = tpu.memref_slice %arg14[%dma_wait3A_65] : memref<80xi32, #tpu.memory_space<vmem>> -> memref<65xi32, #tpu.memory_space<vmem>>
    %dma_wait3A_67 = arith.constant 0 : i32
    %dma_wait3A_68 = arith.constant 0 : i32
    %dma_wait3A_69 = tpu.memref_slice %arg4[%dma_wait3A_67, %dma_wait3A_68] : memref<6250x256xi32, #tpu.memory_space<hbm>> -> memref<6250x256xi32, #tpu.memory_space<hbm>>
    tpu.wait_indirect_dma semaphore(%arg23 : memref<!tpu.dma_semaphore, #tpu.memory_space<semaphore_mem>>) src(%dma_wait3A_69 : memref<6250x256xi32, #tpu.memory_space<hbm>>) dst(%arg10 : memref<65x256xi32, #tpu.memory_space<vmem>>)
    %add3A_70 = arith.constant 65 : i32
    %add3A_71 = arith.addi %mul3A_2, %add3A_70 : i32
    %iota3A_72 = tpu.iota {dimensions = array<i32: 0>} : vector<16xi32>
    %add3A_73 = arith.constant 0 : i32
    %add3A_74 = arith.addi %add3A_71, %add3A_73 : i32
    %add3A_75 = vector.broadcast %add3A_74 : i32 to vector<16xi32>
    %add3A_76 = arith.addi %iota3A_72, %add3A_75 : vector<16xi32>
    %swap3A_77 = arith.constant 0 : index
    %swap3A_78 = tpu.vector_load %arg15[%swap3A_77] {strides = array<i32>} : memref<80xi32, #tpu.memory_space<vmem>>, vector<16xi32>,
    tpu.vector_store %arg15[%swap3A_77], %add3A_76 {strides = array<i32>} : memref<80xi32, #tpu.memory_space<vmem>>, vector<16xi32>,
    %iota3A_79 = tpu.iota {dimensions = array<i32: 0>} : vector<16xi32>
    %add3A_80 = arith.constant 16 : i32
    %add3A_81 = arith.addi %add3A_71, %add3A_80 : i32
    %add3A_82 = vector.broadcast %add3A_81 : i32 to vector<16xi32>
    %add3A_83 = arith.addi %iota3A_79, %add3A_82 : vector<16xi32>
    %swap3A_84 = arith.constant 16 : index
    %swap3A_85 = tpu.vector_load %arg15[%swap3A_84] {strides = array<i32>} : memref<80xi32, #tpu.memory_space<vmem>>, vector<16xi32>,
    tpu.vector_store %arg15[%swap3A_84], %add3A_83 {strides = array<i32>} : memref<80xi32, #tpu.memory_space<vmem>>, vector<16xi32>,
    %iota3A_86 = tpu.iota {dimensions = array<i32: 0>} : vector<16xi32>
    %add3A_87 = arith.constant 32 : i32
    %add3A_88 = arith.addi %add3A_71, %add3A_87 : i32
    %add3A_89 = vector.broadcast %add3A_88 : i32 to vector<16xi32>
    %add3A_90 = arith.addi %iota3A_86, %add3A_89 : vector<16xi32>
    %swap3A_91 = arith.constant 32 : index
    %swap3A_92 = tpu.vector_load %arg15[%swap3A_91] {strides = array<i32>} : memref<80xi32, #tpu.memory_space<vmem>>, vector<16xi32>,
    tpu.vector_store %arg15[%swap3A_91], %add3A_90 {strides = array<i32>} : memref<80xi32, #tpu.memory_space<vmem>>, vector<16xi32>,
    %iota3A_93 = tpu.iota {dimensions = array<i32: 0>} : vector<16xi32>
    %add3A_94 = arith.constant 48 : i32
    %add3A_95 = arith.addi %add3A_71, %add3A_94 : i32
    %add3A_96 = vector.broadcast %add3A_95 : i32 to vector<16xi32>
    %add3A_97 = arith.addi %iota3A_93, %add3A_96 : vector<16xi32>
    %swap3A_98 = arith.constant 48 : index
    %swap3A_99 = tpu.vector_load %arg15[%swap3A_98] {strides = array<i32>} : memref<80xi32, #tpu.memory_space<vmem>>, vector<16xi32>,
    tpu.vector_store %arg15[%swap3A_98], %add3A_97 {strides = array<i32>} : memref<80xi32, #tpu.memory_space<vmem>>, vector<16xi32>,
    %iota3A_100 = tpu.iota {dimensions = array<i32: 0>} : vector<16xi32>
    %add3A_101 = arith.constant 64 : i32
    %add3A_102 = arith.addi %add3A_71, %add3A_101 : i32
    %add3A_103 = vector.broadcast %add3A_102 : i32 to vector<16xi32>
    %add3A_104 = arith.addi %iota3A_100, %add3A_103 : vector<16xi32>
    %swap3A_105 = arith.constant 64 : index
    %swap3A_106 = tpu.vector_load %arg15[%swap3A_105] {strides = array<i32>} : memref<80xi32, #tpu.memory_space<vmem>>, vector<16xi32>,
    tpu.vector_store %arg15[%swap3A_105], %add3A_104 {strides = array<i32>} : memref<80xi32, #tpu.memory_space<vmem>>, vector<16xi32>,
    %dma_start3A_107 = arith.constant 0 : i32
    %dma_start3A_108 = tpu.memref_slice %arg15[%dma_start3A_107] : memref<80xi32, #tpu.memory_space<vmem>> -> memref<65xi32, #tpu.memory_space<vmem>>
    %dma_start3A_109 = arith.constant 0 : i32
    %dma_start3A_110 = arith.constant 0 : i32
    %dma_start3A_111 = tpu.memref_slice %arg2[%dma_start3A_109, %dma_start3A_110] : memref<6250x256xf32, #tpu.memory_space<hbm>> -> memref<6250x256xf32, #tpu.memory_space<hbm>>
    tpu.enqueue_indirect_dma source(%dma_start3A_111 : memref<6250x256xf32, #tpu.memory_space<hbm>>) target(%arg11 : memref<65x256xf32, #tpu.memory_space<vmem>>) offsets(%dma_start3A_108 : memref<65xi32, #tpu.memory_space<vmem>>) semaphore(%arg24 : memref<!tpu.dma_semaphore, #tpu.memory_space<semaphore_mem>>)
    %dma_start3A_112 = arith.constant 0 : i32
    %dma_start3A_113 = tpu.memref_slice %arg15[%dma_start3A_112] : memref<80xi32, #tpu.memory_space<vmem>> -> memref<65xi32, #tpu.memory_space<vmem>>
    %dma_start3A_114 = arith.constant 0 : i32
    %dma_start3A_115 = arith.constant 0 : i32
    %dma_start3A_116 = tpu.memref_slice %arg3[%dma_start3A_114, %dma_start3A_115] : memref<6250x256xi32, #tpu.memory_space<hbm>> -> memref<6250x256xi32, #tpu.memory_space<hbm>>
    tpu.enqueue_indirect_dma source(%dma_start3A_116 : memref<6250x256xi32, #tpu.memory_space<hbm>>) target(%arg12 : memref<65x256xi32, #tpu.memory_space<vmem>>) offsets(%dma_start3A_113 : memref<65xi32, #tpu.memory_space<vmem>>) semaphore(%arg24 : memref<!tpu.dma_semaphore, #tpu.memory_space<semaphore_mem>>)
    %dma_start3A_117 = arith.constant 0 : i32
    %dma_start3A_118 = tpu.memref_slice %arg15[%dma_start3A_117] : memref<80xi32, #tpu.memory_space<vmem>> -> memref<65xi32, #tpu.memory_space<vmem>>
    %dma_start3A_119 = arith.constant 0 : i32
    %dma_start3A_120 = arith.constant 0 : i32
    %dma_start3A_121 = tpu.memref_slice %arg4[%dma_start3A_119, %dma_start3A_120] : memref<6250x256xi32, #tpu.memory_space<hbm>> -> memref<6250x256xi32, #tpu.memory_space<hbm>>
    tpu.enqueue_indirect_dma source(%dma_start3A_121 : memref<6250x256xi32, #tpu.memory_space<hbm>>) target(%arg13 : memref<65x256xi32, #tpu.memory_space<vmem>>) offsets(%dma_start3A_118 : memref<65xi32, #tpu.memory_space<vmem>>) semaphore(%arg24 : memref<!tpu.dma_semaphore, #tpu.memory_space<semaphore_mem>>)
    %parallel_loop3A_122 = arith.constant 0 : i32
    %parallel_loop3A_123 = arith.constant 1040 : i32
    %parallel_loop3A_124 = arith.constant 1 : i32
    scf.for %parallel_loop3A_218 = %parallel_loop3A_122 to %parallel_loop3A_123 step %parallel_loop3A_124  : i32 {
      %parallel_loop3A_219 = arith.constant 16 : i32
      %parallel_loop3A_220 = arith.divsi %parallel_loop3A_218, %parallel_loop3A_219 : i32
      %parallel_loop3A_221 = arith.constant 0 : i32
      %parallel_loop3A_222 = arith.cmpi sgt, %parallel_loop3A_218, %parallel_loop3A_221 : i32
      %parallel_loop3A_223 = arith.extui %parallel_loop3A_222 : i1 to i32
      %parallel_loop3A_224 = arith.constant 0 : i32
      %parallel_loop3A_225 = arith.cmpi slt, %parallel_loop3A_218, %parallel_loop3A_224 : i32
      %parallel_loop3A_226 = arith.extui %parallel_loop3A_225 : i1 to i32
      %parallel_loop3A_227 = arith.subi %parallel_loop3A_223, %parallel_loop3A_226 : i32
      %parallel_loop3A_228 = arith.constant 0 : i32
      %parallel_loop3A_229 = arith.cmpi sgt, %parallel_loop3A_219, %parallel_loop3A_228 : i32
      %parallel_loop3A_230 = arith.extui %parallel_loop3A_229 : i1 to i32
      %parallel_loop3A_231 = arith.constant 0 : i32
      %parallel_loop3A_232 = arith.cmpi slt, %parallel_loop3A_219, %parallel_loop3A_231 : i32
      %parallel_loop3A_233 = arith.extui %parallel_loop3A_232 : i1 to i32
      %parallel_loop3A_234 = arith.subi %parallel_loop3A_230, %parallel_loop3A_233 : i32
      %parallel_loop3A_235 = arith.cmpi ne, %parallel_loop3A_227, %parallel_loop3A_234 : i32
      %parallel_loop3A_236 = arith.remsi %parallel_loop3A_218, %parallel_loop3A_219 : i32
      %parallel_loop3A_237 = arith.constant 0 : i32
      %parallel_loop3A_238 = arith.cmpi ne, %parallel_loop3A_236, %parallel_loop3A_237 : i32
      %parallel_loop3A_239 = arith.andi %parallel_loop3A_235, %parallel_loop3A_238 : i1
      %parallel_loop3A_240 = arith.constant 1 : i32
      %parallel_loop3A_241 = arith.subi %parallel_loop3A_220, %parallel_loop3A_240 : i32
      %parallel_loop3A_242 = arith.select %parallel_loop3A_239, %parallel_loop3A_241, %parallel_loop3A_220 : i32
      %parallel_loop3A_243 = arith.constant 16 : i32
      %parallel_loop3A_244 = arith.constant 0 : i32
      %parallel_loop3A_245 = arith.cmpi eq, %parallel_loop3A_243, %parallel_loop3A_244 : i32
      %parallel_loop3A_246 = arith.constant 1 : i32
      %parallel_loop3A_247 = arith.select %parallel_loop3A_245, %parallel_loop3A_246, %parallel_loop3A_243 : i32
      %parallel_loop3A_248 = arith.remsi %parallel_loop3A_218, %parallel_loop3A_247 : i32
      %parallel_loop3A_249 = arith.constant 0 : i32
      %parallel_loop3A_250 = arith.cmpi ne, %parallel_loop3A_248, %parallel_loop3A_249 : i32
      %parallel_loop3A_251 = arith.constant 0 : i32
      %parallel_loop3A_252 = arith.cmpi slt, %parallel_loop3A_248, %parallel_loop3A_251 : i32
      %parallel_loop3A_253 = arith.constant 0 : i32
      %parallel_loop3A_254 = arith.cmpi slt, %parallel_loop3A_247, %parallel_loop3A_253 : i32
      %parallel_loop3A_255 = arith.xori %parallel_loop3A_252, %parallel_loop3A_254 : i1
      %parallel_loop3A_256 = arith.andi %parallel_loop3A_255, %parallel_loop3A_250 : i1
      %parallel_loop3A_257 = arith.addi %parallel_loop3A_248, %parallel_loop3A_247 : i32
      %parallel_loop3A_258 = arith.select %parallel_loop3A_256, %parallel_loop3A_257, %parallel_loop3A_248 : i32
      %parallel_loop3A_259 = arith.constant 16 : i32
      %parallel_loop3A_260 = arith.muli %parallel_loop3A_258, %parallel_loop3A_259 : i32
      %parallel_loop3A_261 = arith.index_cast %parallel_loop3A_242 : i32 to index
      %parallel_loop3A_262 = arith.index_cast %parallel_loop3A_260 : i32 to index
      %parallel_loop3A_263 = tpu.vector_load %arg8[%parallel_loop3A_261, %parallel_loop3A_262] {strides = array<i32>} : memref<65x256xf32, #tpu.memory_space<vmem>>, vector<16xf32>,
      %parallel_loop3A_264 = arith.index_cast %parallel_loop3A_242 : i32 to index
      %parallel_loop3A_265 = arith.index_cast %parallel_loop3A_260 : i32 to index
      %parallel_loop3A_266 = tpu.vector_load %arg9[%parallel_loop3A_264, %parallel_loop3A_265] {strides = array<i32>} : memref<65x256xi32, #tpu.memory_space<vmem>>, vector<16xi32>,
      %parallel_loop3A_267 = arith.index_cast %parallel_loop3A_242 : i32 to index
      %parallel_loop3A_268 = arith.index_cast %parallel_loop3A_260 : i32 to index
      %parallel_loop3A_269 = tpu.vector_load %arg10[%parallel_loop3A_267, %parallel_loop3A_268] {strides = array<i32>} : memref<65x256xi32, #tpu.memory_space<vmem>>, vector<16xi32>,
      %parallel_loop3A_270 = tpu.vector_load_idx %arg19[%parallel_loop3A_266] : memref<128xf32, #tpu.memory_space<vmem>>[vector<16xi32>], vector<16xf32>,
      %parallel_loop3A_271 = tpu.vector_load_idx %arg20[%parallel_loop3A_266] : memref<128xf32, #tpu.memory_space<vmem>>[vector<16xi32>], vector<16xf32>,
      %parallel_loop3A_272 = vector.broadcast %parallel_loop3A_218 : i32 to vector<16xi32>
      %parallel_loop3A_273 = arith.addi %iota3A_55, %parallel_loop3A_272 : vector<16xi32>
      %parallel_loop3A_274 = arith.constant 15 : i32
      %parallel_loop3A_275 = vector.broadcast %parallel_loop3A_274 : i32 to vector<16xi32>
      %parallel_loop3A_276 = arith.andi %parallel_loop3A_273, %parallel_loop3A_275 : vector<16xi32>
      %parallel_loop3A_277 = arith.constant 16 : i32
      %parallel_loop3A_278 = vector.broadcast %parallel_loop3A_277 : i32 to vector<16xi32>
      %parallel_loop3A_279 = arith.muli %parallel_loop3A_269, %parallel_loop3A_278 : vector<16xi32>
      %parallel_loop3A_280 = arith.addi %parallel_loop3A_279, %parallel_loop3A_276 : vector<16xi32>
      %parallel_loop3A_281 = arith.mulf %parallel_loop3A_263, %parallel_loop3A_270 : vector<16xf32>
      %parallel_loop3A_282 = arith.addf %parallel_loop3A_281, %parallel_loop3A_271 : vector<16xf32>
      tpu.vector_store_idx %arg21[%parallel_loop3A_280], %parallel_loop3A_282 {add = true} : memref<16384xf32, #tpu.memory_space<vmem>>[vector<16xi32>], vector<16xf32>,
    } {sc.loop_unroll_factor = 8 : i64, sc.parallel_access}
    %dma_wait3A_125 = arith.constant 0 : i32
    %dma_wait3A_126 = tpu.memref_slice %arg15[%dma_wait3A_125] : memref<80xi32, #tpu.memory_space<vmem>> -> memref<65xi32, #tpu.memory_space<vmem>>
    %dma_wait3A_127 = arith.constant 0 : i32
    %dma_wait3A_128 = arith.constant 0 : i32
    %dma_wait3A_129 = tpu.memref_slice %arg2[%dma_wait3A_127, %dma_wait3A_128] : memref<6250x256xf32, #tpu.memory_space<hbm>> -> memref<6250x256xf32, #tpu.memory_space<hbm>>
    tpu.wait_indirect_dma semaphore(%arg24 : memref<!tpu.dma_semaphore, #tpu.memory_space<semaphore_mem>>) src(%dma_wait3A_129 : memref<6250x256xf32, #tpu.memory_space<hbm>>) dst(%arg11 : memref<65x256xf32, #tpu.memory_space<vmem>>)
    %dma_wait3A_130 = arith.constant 0 : i32
    %dma_wait3A_131 = tpu.memref_slice %arg15[%dma_wait3A_130] : memref<80xi32, #tpu.memory_space<vmem>> -> memref<65xi32, #tpu.memory_space<vmem>>
    %dma_wait3A_132 = arith.constant 0 : i32
    %dma_wait3A_133 = arith.constant 0 : i32
    %dma_wait3A_134 = tpu.memref_slice %arg3[%dma_wait3A_132, %dma_wait3A_133] : memref<6250x256xi32, #tpu.memory_space<hbm>> -> memref<6250x256xi32, #tpu.memory_space<hbm>>
    tpu.wait_indirect_dma semaphore(%arg24 : memref<!tpu.dma_semaphore, #tpu.memory_space<semaphore_mem>>) src(%dma_wait3A_134 : memref<6250x256xi32, #tpu.memory_space<hbm>>) dst(%arg12 : memref<65x256xi32, #tpu.memory_space<vmem>>)
    %dma_wait3A_135 = arith.constant 0 : i32
    %dma_wait3A_136 = tpu.memref_slice %arg15[%dma_wait3A_135] : memref<80xi32, #tpu.memory_space<vmem>> -> memref<65xi32, #tpu.memory_space<vmem>>
    %dma_wait3A_137 = arith.constant 0 : i32
    %dma_wait3A_138 = arith.constant 0 : i32
    %dma_wait3A_139 = tpu.memref_slice %arg4[%dma_wait3A_137, %dma_wait3A_138] : memref<6250x256xi32, #tpu.memory_space<hbm>> -> memref<6250x256xi32, #tpu.memory_space<hbm>>
    tpu.wait_indirect_dma semaphore(%arg24 : memref<!tpu.dma_semaphore, #tpu.memory_space<semaphore_mem>>) src(%dma_wait3A_139 : memref<6250x256xi32, #tpu.memory_space<hbm>>) dst(%arg13 : memref<65x256xi32, #tpu.memory_space<vmem>>)
    %add3A_140 = arith.constant 130 : i32
    %add3A_141 = arith.addi %mul3A_2, %add3A_140 : i32
    %iota3A_142 = tpu.iota {dimensions = array<i32: 0>} : vector<16xi32>
    %add3A_143 = arith.constant 0 : i32
    %add3A_144 = arith.addi %add3A_141, %add3A_143 : i32
    %add3A_145 = vector.broadcast %add3A_144 : i32 to vector<16xi32>
    %add3A_146 = arith.addi %iota3A_142, %add3A_145 : vector<16xi32>
    %swap3A_147 = arith.constant 0 : index
    %swap3A_148 = tpu.vector_load %arg14[%swap3A_147] {strides = array<i32>} : memref<80xi32, #tpu.memory_space<vmem>>, vector<16xi32>,
    tpu.vector_store %arg14[%swap3A_147], %add3A_146 {strides = array<i32>} : memref<80xi32, #tpu.memory_space<vmem>>, vector<16xi32>,
    %iota3A_149 = tpu.iota {dimensions = array<i32: 0>} : vector<16xi32>
    %add3A_150 = arith.constant 16 : i32
    %add3A_151 = arith.addi %add3A_141, %add3A_150 : i32
    %add3A_152 = vector.broadcast %add3A_151 : i32 to vector<16xi32>
    %add3A_153 = arith.addi %iota3A_149, %add3A_152 : vector<16xi32>
    %swap3A_154 = arith.constant 16 : index
    %swap3A_155 = tpu.vector_load %arg14[%swap3A_154] {strides = array<i32>} : memref<80xi32, #tpu.memory_space<vmem>>, vector<16xi32>,
    tpu.vector_store %arg14[%swap3A_154], %add3A_153 {strides = array<i32>} : memref<80xi32, #tpu.memory_space<vmem>>, vector<16xi32>,
    %iota3A_156 = tpu.iota {dimensions = array<i32: 0>} : vector<16xi32>
    %add3A_157 = arith.constant 32 : i32
    %add3A_158 = arith.addi %add3A_141, %add3A_157 : i32
    %add3A_159 = vector.broadcast %add3A_158 : i32 to vector<16xi32>
    %add3A_160 = arith.addi %iota3A_156, %add3A_159 : vector<16xi32>
    %swap3A_161 = arith.constant 32 : index
    %swap3A_162 = tpu.vector_load %arg14[%swap3A_161] {strides = array<i32>} : memref<80xi32, #tpu.memory_space<vmem>>, vector<16xi32>,
    tpu.vector_store %arg14[%swap3A_161], %add3A_160 {strides = array<i32>} : memref<80xi32, #tpu.memory_space<vmem>>, vector<16xi32>,
    %iota3A_163 = tpu.iota {dimensions = array<i32: 0>} : vector<16xi32>
    %add3A_164 = arith.constant 48 : i32
    %add3A_165 = arith.addi %add3A_141, %add3A_164 : i32
    %add3A_166 = vector.broadcast %add3A_165 : i32 to vector<16xi32>
    %add3A_167 = arith.addi %iota3A_163, %add3A_166 : vector<16xi32>
    %swap3A_168 = arith.constant 48 : index
    %swap3A_169 = tpu.vector_load %arg14[%swap3A_168] {strides = array<i32>} : memref<80xi32, #tpu.memory_space<vmem>>, vector<16xi32>,
    tpu.vector_store %arg14[%swap3A_168], %add3A_167 {strides = array<i32>} : memref<80xi32, #tpu.memory_space<vmem>>, vector<16xi32>,
    %iota3A_170 = tpu.iota {dimensions = array<i32: 0>} : vector<16xi32>
    %add3A_171 = arith.constant 64 : i32
    %add3A_172 = arith.addi %add3A_141, %add3A_171 : i32
    %add3A_173 = vector.broadcast %add3A_172 : i32 to vector<16xi32>
    %add3A_174 = arith.addi %iota3A_170, %add3A_173 : vector<16xi32>
    %swap3A_175 = arith.constant 64 : index
    %swap3A_176 = tpu.vector_load %arg14[%swap3A_175] {strides = array<i32>} : memref<80xi32, #tpu.memory_space<vmem>>, vector<16xi32>,
    tpu.vector_store %arg14[%swap3A_175], %add3A_174 {strides = array<i32>} : memref<80xi32, #tpu.memory_space<vmem>>, vector<16xi32>,
    %dma_start3A_177 = arith.constant 0 : i32
    %dma_start3A_178 = tpu.memref_slice %arg14[%dma_start3A_177] : memref<80xi32, #tpu.memory_space<vmem>> -> memref<65xi32, #tpu.memory_space<vmem>>
    %dma_start3A_179 = arith.constant 0 : i32
    %dma_start3A_180 = arith.constant 0 : i32
    %dma_start3A_181 = tpu.memref_slice %arg2[%dma_start3A_179, %dma_start3A_180] : memref<6250x256xf32, #tpu.memory_space<hbm>> -> memref<6250x256xf32, #tpu.memory_space<hbm>>
    tpu.enqueue_indirect_dma source(%dma_start3A_181 : memref<6250x256xf32, #tpu.memory_space<hbm>>) target(%arg8 : memref<65x256xf32, #tpu.memory_space<vmem>>) offsets(%dma_start3A_178 : memref<65xi32, #tpu.memory_space<vmem>>) semaphore(%arg23 : memref<!tpu.dma_semaphore, #tpu.memory_space<semaphore_mem>>)
    %dma_start3A_182 = arith.constant 0 : i32
    %dma_start3A_183 = tpu.memref_slice %arg14[%dma_start3A_182] : memref<80xi32, #tpu.memory_space<vmem>> -> memref<65xi32, #tpu.memory_space<vmem>>
    %dma_start3A_184 = arith.constant 0 : i32
    %dma_start3A_185 = arith.constant 0 : i32
    %dma_start3A_186 = tpu.memref_slice %arg3[%dma_start3A_184, %dma_start3A_185] : memref<6250x256xi32, #tpu.memory_space<hbm>> -> memref<6250x256xi32, #tpu.memory_space<hbm>>
    tpu.enqueue_indirect_dma source(%dma_start3A_186 : memref<6250x256xi32, #tpu.memory_space<hbm>>) target(%arg9 : memref<65x256xi32, #tpu.memory_space<vmem>>) offsets(%dma_start3A_183 : memref<65xi32, #tpu.memory_space<vmem>>) semaphore(%arg23 : memref<!tpu.dma_semaphore, #tpu.memory_space<semaphore_mem>>)
    %dma_start3A_187 = arith.constant 0 : i32
    %dma_start3A_188 = tpu.memref_slice %arg14[%dma_start3A_187] : memref<80xi32, #tpu.memory_space<vmem>> -> memref<65xi32, #tpu.memory_space<vmem>>
    %dma_start3A_189 = arith.constant 0 : i32
    %dma_start3A_190 = arith.constant 0 : i32
    %dma_start3A_191 = tpu.memref_slice %arg4[%dma_start3A_189, %dma_start3A_190] : memref<6250x256xi32, #tpu.memory_space<hbm>> -> memref<6250x256xi32, #tpu.memory_space<hbm>>
    tpu.enqueue_indirect_dma source(%dma_start3A_191 : memref<6250x256xi32, #tpu.memory_space<hbm>>) target(%arg10 : memref<65x256xi32, #tpu.memory_space<vmem>>) offsets(%dma_start3A_188 : memref<65xi32, #tpu.memory_space<vmem>>) semaphore(%arg23 : memref<!tpu.dma_semaphore, #tpu.memory_space<semaphore_mem>>)
    %parallel_loop3A_192 = arith.constant 0 : i32
    %parallel_loop3A_193 = arith.constant 1040 : i32
    %parallel_loop3A_194 = arith.constant 1 : i32
    scf.for %parallel_loop3A_218 = %parallel_loop3A_192 to %parallel_loop3A_193 step %parallel_loop3A_194  : i32 {
      %parallel_loop3A_219 = arith.constant 16 : i32
      %parallel_loop3A_220 = arith.divsi %parallel_loop3A_218, %parallel_loop3A_219 : i32
      %parallel_loop3A_221 = arith.constant 0 : i32
      %parallel_loop3A_222 = arith.cmpi sgt, %parallel_loop3A_218, %parallel_loop3A_221 : i32
      %parallel_loop3A_223 = arith.extui %parallel_loop3A_222 : i1 to i32
      %parallel_loop3A_224 = arith.constant 0 : i32
      %parallel_loop3A_225 = arith.cmpi slt, %parallel_loop3A_218, %parallel_loop3A_224 : i32
      %parallel_loop3A_226 = arith.extui %parallel_loop3A_225 : i1 to i32
      %parallel_loop3A_227 = arith.subi %parallel_loop3A_223, %parallel_loop3A_226 : i32
      %parallel_loop3A_228 = arith.constant 0 : i32
      %parallel_loop3A_229 = arith.cmpi sgt, %parallel_loop3A_219, %parallel_loop3A_228 : i32
      %parallel_loop3A_230 = arith.extui %parallel_loop3A_229 : i1 to i32
      %parallel_loop3A_231 = arith.constant 0 : i32
      %parallel_loop3A_232 = arith.cmpi slt, %parallel_loop3A_219, %parallel_loop3A_231 : i32
      %parallel_loop3A_233 = arith.extui %parallel_loop3A_232 : i1 to i32
      %parallel_loop3A_234 = arith.subi %parallel_loop3A_230, %parallel_loop3A_233 : i32
      %parallel_loop3A_235 = arith.cmpi ne, %parallel_loop3A_227, %parallel_loop3A_234 : i32
      %parallel_loop3A_236 = arith.remsi %parallel_loop3A_218, %parallel_loop3A_219 : i32
      %parallel_loop3A_237 = arith.constant 0 : i32
      %parallel_loop3A_238 = arith.cmpi ne, %parallel_loop3A_236, %parallel_loop3A_237 : i32
      %parallel_loop3A_239 = arith.andi %parallel_loop3A_235, %parallel_loop3A_238 : i1
      %parallel_loop3A_240 = arith.constant 1 : i32
      %parallel_loop3A_241 = arith.subi %parallel_loop3A_220, %parallel_loop3A_240 : i32
      %parallel_loop3A_242 = arith.select %parallel_loop3A_239, %parallel_loop3A_241, %parallel_loop3A_220 : i32
      %parallel_loop3A_243 = arith.constant 16 : i32
      %parallel_loop3A_244 = arith.constant 0 : i32
      %parallel_loop3A_245 = arith.cmpi eq, %parallel_loop3A_243, %parallel_loop3A_244 : i32
      %parallel_loop3A_246 = arith.constant 1 : i32
      %parallel_loop3A_247 = arith.select %parallel_loop3A_245, %parallel_loop3A_246, %parallel_loop3A_243 : i32
      %parallel_loop3A_248 = arith.remsi %parallel_loop3A_218, %parallel_loop3A_247 : i32
      %parallel_loop3A_249 = arith.constant 0 : i32
      %parallel_loop3A_250 = arith.cmpi ne, %parallel_loop3A_248, %parallel_loop3A_249 : i32
      %parallel_loop3A_251 = arith.constant 0 : i32
      %parallel_loop3A_252 = arith.cmpi slt, %parallel_loop3A_248, %parallel_loop3A_251 : i32
      %parallel_loop3A_253 = arith.constant 0 : i32
      %parallel_loop3A_254 = arith.cmpi slt, %parallel_loop3A_247, %parallel_loop3A_253 : i32
      %parallel_loop3A_255 = arith.xori %parallel_loop3A_252, %parallel_loop3A_254 : i1
      %parallel_loop3A_256 = arith.andi %parallel_loop3A_255, %parallel_loop3A_250 : i1
      %parallel_loop3A_257 = arith.addi %parallel_loop3A_248, %parallel_loop3A_247 : i32
      %parallel_loop3A_258 = arith.select %parallel_loop3A_256, %parallel_loop3A_257, %parallel_loop3A_248 : i32
      %parallel_loop3A_259 = arith.constant 16 : i32
      %parallel_loop3A_260 = arith.muli %parallel_loop3A_258, %parallel_loop3A_259 : i32
      %parallel_loop3A_261 = arith.index_cast %parallel_loop3A_242 : i32 to index
      %parallel_loop3A_262 = arith.index_cast %parallel_loop3A_260 : i32 to index
      %parallel_loop3A_263 = tpu.vector_load %arg11[%parallel_loop3A_261, %parallel_loop3A_262] {strides = array<i32>} : memref<65x256xf32, #tpu.memory_space<vmem>>, vector<16xf32>,
      %parallel_loop3A_264 = arith.index_cast %parallel_loop3A_242 : i32 to index
      %parallel_loop3A_265 = arith.index_cast %parallel_loop3A_260 : i32 to index
      %parallel_loop3A_266 = tpu.vector_load %arg12[%parallel_loop3A_264, %parallel_loop3A_265] {strides = array<i32>} : memref<65x256xi32, #tpu.memory_space<vmem>>, vector<16xi32>,
      %parallel_loop3A_267 = arith.index_cast %parallel_loop3A_242 : i32 to index
      %parallel_loop3A_268 = arith.index_cast %parallel_loop3A_260 : i32 to index
      %parallel_loop3A_269 = tpu.vector_load %arg13[%parallel_loop3A_267, %parallel_loop3A_268] {strides = array<i32>} : memref<65x256xi32, #tpu.memory_space<vmem>>, vector<16xi32>,
      %parallel_loop3A_270 = tpu.vector_load_idx %arg19[%parallel_loop3A_266] : memref<128xf32, #tpu.memory_space<vmem>>[vector<16xi32>], vector<16xf32>,
      %parallel_loop3A_271 = tpu.vector_load_idx %arg20[%parallel_loop3A_266] : memref<128xf32, #tpu.memory_space<vmem>>[vector<16xi32>], vector<16xf32>,
      %parallel_loop3A_272 = vector.broadcast %parallel_loop3A_218 : i32 to vector<16xi32>
      %parallel_loop3A_273 = arith.addi %iota3A_55, %parallel_loop3A_272 : vector<16xi32>
      %parallel_loop3A_274 = arith.constant 15 : i32
      %parallel_loop3A_275 = vector.broadcast %parallel_loop3A_274 : i32 to vector<16xi32>
      %parallel_loop3A_276 = arith.andi %parallel_loop3A_273, %parallel_loop3A_275 : vector<16xi32>
      %parallel_loop3A_277 = arith.constant 16 : i32
      %parallel_loop3A_278 = vector.broadcast %parallel_loop3A_277 : i32 to vector<16xi32>
      %parallel_loop3A_279 = arith.muli %parallel_loop3A_269, %parallel_loop3A_278 : vector<16xi32>
      %parallel_loop3A_280 = arith.addi %parallel_loop3A_279, %parallel_loop3A_276 : vector<16xi32>
      %parallel_loop3A_281 = arith.mulf %parallel_loop3A_263, %parallel_loop3A_270 : vector<16xf32>
      %parallel_loop3A_282 = arith.addf %parallel_loop3A_281, %parallel_loop3A_271 : vector<16xf32>
      tpu.vector_store_idx %arg21[%parallel_loop3A_280], %parallel_loop3A_282 {add = true} : memref<16384xf32, #tpu.memory_space<vmem>>[vector<16xi32>], vector<16xf32>,
    } {sc.loop_unroll_factor = 8 : i64, sc.parallel_access}
    %dma_wait3A_195 = arith.constant 0 : i32
    %dma_wait3A_196 = tpu.memref_slice %arg14[%dma_wait3A_195] : memref<80xi32, #tpu.memory_space<vmem>> -> memref<65xi32, #tpu.memory_space<vmem>>
    %dma_wait3A_197 = arith.constant 0 : i32
    %dma_wait3A_198 = arith.constant 0 : i32
    %dma_wait3A_199 = tpu.memref_slice %arg2[%dma_wait3A_197, %dma_wait3A_198] : memref<6250x256xf32, #tpu.memory_space<hbm>> -> memref<6250x256xf32, #tpu.memory_space<hbm>>
    tpu.wait_indirect_dma semaphore(%arg23 : memref<!tpu.dma_semaphore, #tpu.memory_space<semaphore_mem>>) src(%dma_wait3A_199 : memref<6250x256xf32, #tpu.memory_space<hbm>>) dst(%arg8 : memref<65x256xf32, #tpu.memory_space<vmem>>)
    %dma_wait3A_200 = arith.constant 0 : i32
    %dma_wait3A_201 = tpu.memref_slice %arg14[%dma_wait3A_200] : memref<80xi32, #tpu.memory_space<vmem>> -> memref<65xi32, #tpu.memory_space<vmem>>
    %dma_wait3A_202 = arith.constant 0 : i32
    %dma_wait3A_203 = arith.constant 0 : i32
    %dma_wait3A_204 = tpu.memref_slice %arg3[%dma_wait3A_202, %dma_wait3A_203] : memref<6250x256xi32, #tpu.memory_space<hbm>> -> memref<6250x256xi32, #tpu.memory_space<hbm>>
    tpu.wait_indirect_dma semaphore(%arg23 : memref<!tpu.dma_semaphore, #tpu.memory_space<semaphore_mem>>) src(%dma_wait3A_204 : memref<6250x256xi32, #tpu.memory_space<hbm>>) dst(%arg9 : memref<65x256xi32, #tpu.memory_space<vmem>>)
    %dma_wait3A_205 = arith.constant 0 : i32
    %dma_wait3A_206 = tpu.memref_slice %arg14[%dma_wait3A_205] : memref<80xi32, #tpu.memory_space<vmem>> -> memref<65xi32, #tpu.memory_space<vmem>>
    %dma_wait3A_207 = arith.constant 0 : i32
    %dma_wait3A_208 = arith.constant 0 : i32
    %dma_wait3A_209 = tpu.memref_slice %arg4[%dma_wait3A_207, %dma_wait3A_208] : memref<6250x256xi32, #tpu.memory_space<hbm>> -> memref<6250x256xi32, #tpu.memory_space<hbm>>
    tpu.wait_indirect_dma semaphore(%arg23 : memref<!tpu.dma_semaphore, #tpu.memory_space<semaphore_mem>>) src(%dma_wait3A_209 : memref<6250x256xi32, #tpu.memory_space<hbm>>) dst(%arg10 : memref<65x256xi32, #tpu.memory_space<vmem>>)
    %parallel_loop3A_210 = arith.constant 0 : i32
    %parallel_loop3A_211 = arith.constant 1040 : i32
    %parallel_loop3A_212 = arith.constant 1 : i32
    scf.for %parallel_loop3A_218 = %parallel_loop3A_210 to %parallel_loop3A_211 step %parallel_loop3A_212  : i32 {
      %parallel_loop3A_219 = arith.constant 16 : i32
      %parallel_loop3A_220 = arith.divsi %parallel_loop3A_218, %parallel_loop3A_219 : i32
      %parallel_loop3A_221 = arith.constant 0 : i32
      %parallel_loop3A_222 = arith.cmpi sgt, %parallel_loop3A_218, %parallel_loop3A_221 : i32
      %parallel_loop3A_223 = arith.extui %parallel_loop3A_222 : i1 to i32
      %parallel_loop3A_224 = arith.constant 0 : i32
      %parallel_loop3A_225 = arith.cmpi slt, %parallel_loop3A_218, %parallel_loop3A_224 : i32
      %parallel_loop3A_226 = arith.extui %parallel_loop3A_225 : i1 to i32
      %parallel_loop3A_227 = arith.subi %parallel_loop3A_223, %parallel_loop3A_226 : i32
      %parallel_loop3A_228 = arith.constant 0 : i32
      %parallel_loop3A_229 = arith.cmpi sgt, %parallel_loop3A_219, %parallel_loop3A_228 : i32
      %parallel_loop3A_230 = arith.extui %parallel_loop3A_229 : i1 to i32
      %parallel_loop3A_231 = arith.constant 0 : i32
      %parallel_loop3A_232 = arith.cmpi slt, %parallel_loop3A_219, %parallel_loop3A_231 : i32
      %parallel_loop3A_233 = arith.extui %parallel_loop3A_232 : i1 to i32
      %parallel_loop3A_234 = arith.subi %parallel_loop3A_230, %parallel_loop3A_233 : i32
      %parallel_loop3A_235 = arith.cmpi ne, %parallel_loop3A_227, %parallel_loop3A_234 : i32
      %parallel_loop3A_236 = arith.remsi %parallel_loop3A_218, %parallel_loop3A_219 : i32
      %parallel_loop3A_237 = arith.constant 0 : i32
      %parallel_loop3A_238 = arith.cmpi ne, %parallel_loop3A_236, %parallel_loop3A_237 : i32
      %parallel_loop3A_239 = arith.andi %parallel_loop3A_235, %parallel_loop3A_238 : i1
      %parallel_loop3A_240 = arith.constant 1 : i32
      %parallel_loop3A_241 = arith.subi %parallel_loop3A_220, %parallel_loop3A_240 : i32
      %parallel_loop3A_242 = arith.select %parallel_loop3A_239, %parallel_loop3A_241, %parallel_loop3A_220 : i32
      %parallel_loop3A_243 = arith.constant 16 : i32
      %parallel_loop3A_244 = arith.constant 0 : i32
      %parallel_loop3A_245 = arith.cmpi eq, %parallel_loop3A_243, %parallel_loop3A_244 : i32
      %parallel_loop3A_246 = arith.constant 1 : i32
      %parallel_loop3A_247 = arith.select %parallel_loop3A_245, %parallel_loop3A_246, %parallel_loop3A_243 : i32
      %parallel_loop3A_248 = arith.remsi %parallel_loop3A_218, %parallel_loop3A_247 : i32
      %parallel_loop3A_249 = arith.constant 0 : i32
      %parallel_loop3A_250 = arith.cmpi ne, %parallel_loop3A_248, %parallel_loop3A_249 : i32
      %parallel_loop3A_251 = arith.constant 0 : i32
      %parallel_loop3A_252 = arith.cmpi slt, %parallel_loop3A_248, %parallel_loop3A_251 : i32
      %parallel_loop3A_253 = arith.constant 0 : i32
      %parallel_loop3A_254 = arith.cmpi slt, %parallel_loop3A_247, %parallel_loop3A_253 : i32
      %parallel_loop3A_255 = arith.xori %parallel_loop3A_252, %parallel_loop3A_254 : i1
      %parallel_loop3A_256 = arith.andi %parallel_loop3A_255, %parallel_loop3A_250 : i1
      %parallel_loop3A_257 = arith.addi %parallel_loop3A_248, %parallel_loop3A_247 : i32
      %parallel_loop3A_258 = arith.select %parallel_loop3A_256, %parallel_loop3A_257, %parallel_loop3A_248 : i32
      %parallel_loop3A_259 = arith.constant 16 : i32
      %parallel_loop3A_260 = arith.muli %parallel_loop3A_258, %parallel_loop3A_259 : i32
      %parallel_loop3A_261 = arith.index_cast %parallel_loop3A_242 : i32 to index
      %parallel_loop3A_262 = arith.index_cast %parallel_loop3A_260 : i32 to index
      %parallel_loop3A_263 = tpu.vector_load %arg8[%parallel_loop3A_261, %parallel_loop3A_262] {strides = array<i32>} : memref<65x256xf32, #tpu.memory_space<vmem>>, vector<16xf32>,
      %parallel_loop3A_264 = arith.index_cast %parallel_loop3A_242 : i32 to index
      %parallel_loop3A_265 = arith.index_cast %parallel_loop3A_260 : i32 to index
      %parallel_loop3A_266 = tpu.vector_load %arg9[%parallel_loop3A_264, %parallel_loop3A_265] {strides = array<i32>} : memref<65x256xi32, #tpu.memory_space<vmem>>, vector<16xi32>,
      %parallel_loop3A_267 = arith.index_cast %parallel_loop3A_242 : i32 to index
      %parallel_loop3A_268 = arith.index_cast %parallel_loop3A_260 : i32 to index
      %parallel_loop3A_269 = tpu.vector_load %arg10[%parallel_loop3A_267, %parallel_loop3A_268] {strides = array<i32>} : memref<65x256xi32, #tpu.memory_space<vmem>>, vector<16xi32>,
      %parallel_loop3A_270 = tpu.vector_load_idx %arg19[%parallel_loop3A_266] : memref<128xf32, #tpu.memory_space<vmem>>[vector<16xi32>], vector<16xf32>,
      %parallel_loop3A_271 = tpu.vector_load_idx %arg20[%parallel_loop3A_266] : memref<128xf32, #tpu.memory_space<vmem>>[vector<16xi32>], vector<16xf32>,
      %parallel_loop3A_272 = vector.broadcast %parallel_loop3A_218 : i32 to vector<16xi32>
      %parallel_loop3A_273 = arith.addi %iota3A_55, %parallel_loop3A_272 : vector<16xi32>
      %parallel_loop3A_274 = arith.constant 15 : i32
      %parallel_loop3A_275 = vector.broadcast %parallel_loop3A_274 : i32 to vector<16xi32>
      %parallel_loop3A_276 = arith.andi %parallel_loop3A_273, %parallel_loop3A_275 : vector<16xi32>
      %parallel_loop3A_277 = arith.constant 16 : i32
      %parallel_loop3A_278 = vector.broadcast %parallel_loop3A_277 : i32 to vector<16xi32>
      %parallel_loop3A_279 = arith.muli %parallel_loop3A_269, %parallel_loop3A_278 : vector<16xi32>
      %parallel_loop3A_280 = arith.addi %parallel_loop3A_279, %parallel_loop3A_276 : vector<16xi32>
      %parallel_loop3A_281 = arith.mulf %parallel_loop3A_263, %parallel_loop3A_270 : vector<16xf32>
      %parallel_loop3A_282 = arith.addf %parallel_loop3A_281, %parallel_loop3A_271 : vector<16xf32>
      tpu.vector_store_idx %arg21[%parallel_loop3A_280], %parallel_loop3A_282 {add = true} : memref<16384xf32, #tpu.memory_space<vmem>>[vector<16xi32>], vector<16xf32>,
    } {sc.loop_unroll_factor = 8 : i64, sc.parallel_access}
    %lt3A = arith.constant 10 : i32
    %lt3A_213 = arith.cmpi slt, %add3A, %lt3A : i32
    %convert_element_type3A = arith.extui %lt3A_213 : i1 to i32
    %cond3A = arith.constant 0 : i32
    %cond3A_214 = arith.cmpi ne, %convert_element_type3A, %cond3A : i32
    scf.if %cond3A_214 {
      %add3A_218 = arith.constant 6240 : i32
      %add3A_219 = arith.addi %add3A_218, %add3A : i32
      %iota3A_220 = tpu.iota {dimensions = array<i32: 0>} : vector<16xi32>
      %add3A_221 = vector.broadcast %add3A_219 : i32 to vector<16xi32>
      %add3A_222 = arith.addi %iota3A_220, %add3A_221 : vector<16xi32>
      %swap3A_223 = arith.constant 0 : index
      %swap3A_224 = tpu.vector_load %arg14[%swap3A_223] {strides = array<i32>} : memref<80xi32, #tpu.memory_space<vmem>>, vector<16xi32>,
      tpu.vector_store %arg14[%swap3A_223], %add3A_222 {strides = array<i32>} : memref<80xi32, #tpu.memory_space<vmem>>, vector<16xi32>,
      %dma_start3A_225 = arith.constant 0 : i32
      %dma_start3A_226 = tpu.memref_slice %arg14[%dma_start3A_225] : memref<80xi32, #tpu.memory_space<vmem>> -> memref<1xi32, #tpu.memory_space<vmem>>
      %dma_start3A_227 = arith.constant 0 : i32
      %dma_start3A_228 = arith.constant 0 : i32
      %dma_start3A_229 = tpu.memref_slice %arg2[%dma_start3A_227, %dma_start3A_228] : memref<6250x256xf32, #tpu.memory_space<hbm>> -> memref<6250x256xf32, #tpu.memory_space<hbm>>
      tpu.enqueue_indirect_dma source(%dma_start3A_229 : memref<6250x256xf32, #tpu.memory_space<hbm>>) target(%arg16 : memref<1x256xf32, #tpu.memory_space<vmem>>) offsets(%dma_start3A_226 : memref<1xi32, #tpu.memory_space<vmem>>) semaphore(%arg25 : memref<!tpu.dma_semaphore, #tpu.memory_space<semaphore_mem>>)
      %dma_start3A_230 = arith.constant 0 : i32
      %dma_start3A_231 = tpu.memref_slice %arg14[%dma_start3A_230] : memref<80xi32, #tpu.memory_space<vmem>> -> memref<1xi32, #tpu.memory_space<vmem>>
      %dma_start3A_232 = arith.constant 0 : i32
      %dma_start3A_233 = arith.constant 0 : i32
      %dma_start3A_234 = tpu.memref_slice %arg3[%dma_start3A_232, %dma_start3A_233] : memref<6250x256xi32, #tpu.memory_space<hbm>> -> memref<6250x256xi32, #tpu.memory_space<hbm>>
      tpu.enqueue_indirect_dma source(%dma_start3A_234 : memref<6250x256xi32, #tpu.memory_space<hbm>>) target(%arg17 : memref<1x256xi32, #tpu.memory_space<vmem>>) offsets(%dma_start3A_231 : memref<1xi32, #tpu.memory_space<vmem>>) semaphore(%arg25 : memref<!tpu.dma_semaphore, #tpu.memory_space<semaphore_mem>>)
      %dma_start3A_235 = arith.constant 0 : i32
      %dma_start3A_236 = tpu.memref_slice %arg14[%dma_start3A_235] : memref<80xi32, #tpu.memory_space<vmem>> -> memref<1xi32, #tpu.memory_space<vmem>>
      %dma_start3A_237 = arith.constant 0 : i32
      %dma_start3A_238 = arith.constant 0 : i32
      %dma_start3A_239 = tpu.memref_slice %arg4[%dma_start3A_237, %dma_start3A_238] : memref<6250x256xi32, #tpu.memory_space<hbm>> -> memref<6250x256xi32, #tpu.memory_space<hbm>>
      tpu.enqueue_indirect_dma source(%dma_start3A_239 : memref<6250x256xi32, #tpu.memory_space<hbm>>) target(%arg18 : memref<1x256xi32, #tpu.memory_space<vmem>>) offsets(%dma_start3A_236 : memref<1xi32, #tpu.memory_space<vmem>>) semaphore(%arg25 : memref<!tpu.dma_semaphore, #tpu.memory_space<semaphore_mem>>)
      %dma_wait3A_240 = arith.constant 0 : i32
      %dma_wait3A_241 = tpu.memref_slice %arg14[%dma_wait3A_240] : memref<80xi32, #tpu.memory_space<vmem>> -> memref<1xi32, #tpu.memory_space<vmem>>
      %dma_wait3A_242 = arith.constant 0 : i32
      %dma_wait3A_243 = arith.constant 0 : i32
      %dma_wait3A_244 = tpu.memref_slice %arg2[%dma_wait3A_242, %dma_wait3A_243] : memref<6250x256xf32, #tpu.memory_space<hbm>> -> memref<6250x256xf32, #tpu.memory_space<hbm>>
      tpu.wait_indirect_dma semaphore(%arg25 : memref<!tpu.dma_semaphore, #tpu.memory_space<semaphore_mem>>) src(%dma_wait3A_244 : memref<6250x256xf32, #tpu.memory_space<hbm>>) dst(%arg16 : memref<1x256xf32, #tpu.memory_space<vmem>>)
      %dma_wait3A_245 = arith.constant 0 : i32
      %dma_wait3A_246 = tpu.memref_slice %arg14[%dma_wait3A_245] : memref<80xi32, #tpu.memory_space<vmem>> -> memref<1xi32, #tpu.memory_space<vmem>>
      %dma_wait3A_247 = arith.constant 0 : i32
      %dma_wait3A_248 = arith.constant 0 : i32
      %dma_wait3A_249 = tpu.memref_slice %arg3[%dma_wait3A_247, %dma_wait3A_248] : memref<6250x256xi32, #tpu.memory_space<hbm>> -> memref<6250x256xi32, #tpu.memory_space<hbm>>
      tpu.wait_indirect_dma semaphore(%arg25 : memref<!tpu.dma_semaphore, #tpu.memory_space<semaphore_mem>>) src(%dma_wait3A_249 : memref<6250x256xi32, #tpu.memory_space<hbm>>) dst(%arg17 : memref<1x256xi32, #tpu.memory_space<vmem>>)
      %dma_wait3A_250 = arith.constant 0 : i32
      %dma_wait3A_251 = tpu.memref_slice %arg14[%dma_wait3A_250] : memref<80xi32, #tpu.memory_space<vmem>> -> memref<1xi32, #tpu.memory_space<vmem>>
      %dma_wait3A_252 = arith.constant 0 : i32
      %dma_wait3A_253 = arith.constant 0 : i32
      %dma_wait3A_254 = tpu.memref_slice %arg4[%dma_wait3A_252, %dma_wait3A_253] : memref<6250x256xi32, #tpu.memory_space<hbm>> -> memref<6250x256xi32, #tpu.memory_space<hbm>>
      tpu.wait_indirect_dma semaphore(%arg25 : memref<!tpu.dma_semaphore, #tpu.memory_space<semaphore_mem>>) src(%dma_wait3A_254 : memref<6250x256xi32, #tpu.memory_space<hbm>>) dst(%arg18 : memref<1x256xi32, #tpu.memory_space<vmem>>)
      %parallel_loop3A_255 = arith.constant 0 : i32
      %parallel_loop3A_256 = arith.constant 16 : i32
      %parallel_loop3A_257 = arith.constant 1 : i32
      scf.for %parallel_loop3A_258 = %parallel_loop3A_255 to %parallel_loop3A_256 step %parallel_loop3A_257  : i32 {
        %parallel_loop3A_259 = arith.constant 16 : i32
        %parallel_loop3A_260 = arith.divsi %parallel_loop3A_258, %parallel_loop3A_259 : i32
        %parallel_loop3A_261 = arith.constant 0 : i32
        %parallel_loop3A_262 = arith.cmpi sgt, %parallel_loop3A_258, %parallel_loop3A_261 : i32
        %parallel_loop3A_263 = arith.extui %parallel_loop3A_262 : i1 to i32
        %parallel_loop3A_264 = arith.constant 0 : i32
        %parallel_loop3A_265 = arith.cmpi slt, %parallel_loop3A_258, %parallel_loop3A_264 : i32
        %parallel_loop3A_266 = arith.extui %parallel_loop3A_265 : i1 to i32
        %parallel_loop3A_267 = arith.subi %parallel_loop3A_263, %parallel_loop3A_266 : i32
        %parallel_loop3A_268 = arith.constant 0 : i32
        %parallel_loop3A_269 = arith.cmpi sgt, %parallel_loop3A_259, %parallel_loop3A_268 : i32
        %parallel_loop3A_270 = arith.extui %parallel_loop3A_269 : i1 to i32
        %parallel_loop3A_271 = arith.constant 0 : i32
        %parallel_loop3A_272 = arith.cmpi slt, %parallel_loop3A_259, %parallel_loop3A_271 : i32
        %parallel_loop3A_273 = arith.extui %parallel_loop3A_272 : i1 to i32
        %parallel_loop3A_274 = arith.subi %parallel_loop3A_270, %parallel_loop3A_273 : i32
        %parallel_loop3A_275 = arith.cmpi ne, %parallel_loop3A_267, %parallel_loop3A_274 : i32
        %parallel_loop3A_276 = arith.remsi %parallel_loop3A_258, %parallel_loop3A_259 : i32
        %parallel_loop3A_277 = arith.constant 0 : i32
        %parallel_loop3A_278 = arith.cmpi ne, %parallel_loop3A_276, %parallel_loop3A_277 : i32
        %parallel_loop3A_279 = arith.andi %parallel_loop3A_275, %parallel_loop3A_278 : i1
        %parallel_loop3A_280 = arith.constant 1 : i32
        %parallel_loop3A_281 = arith.subi %parallel_loop3A_260, %parallel_loop3A_280 : i32
        %parallel_loop3A_282 = arith.select %parallel_loop3A_279, %parallel_loop3A_281, %parallel_loop3A_260 : i32
        %parallel_loop3A_283 = arith.constant 16 : i32
        %parallel_loop3A_284 = arith.constant 0 : i32
        %parallel_loop3A_285 = arith.cmpi eq, %parallel_loop3A_283, %parallel_loop3A_284 : i32
        %parallel_loop3A_286 = arith.constant 1 : i32
        %parallel_loop3A_287 = arith.select %parallel_loop3A_285, %parallel_loop3A_286, %parallel_loop3A_283 : i32
        %parallel_loop3A_288 = arith.remsi %parallel_loop3A_258, %parallel_loop3A_287 : i32
        %parallel_loop3A_289 = arith.constant 0 : i32
        %parallel_loop3A_290 = arith.cmpi ne, %parallel_loop3A_288, %parallel_loop3A_289 : i32
        %parallel_loop3A_291 = arith.constant 0 : i32
        %parallel_loop3A_292 = arith.cmpi slt, %parallel_loop3A_288, %parallel_loop3A_291 : i32
        %parallel_loop3A_293 = arith.constant 0 : i32
        %parallel_loop3A_294 = arith.cmpi slt, %parallel_loop3A_287, %parallel_loop3A_293 : i32
        %parallel_loop3A_295 = arith.xori %parallel_loop3A_292, %parallel_loop3A_294 : i1
        %parallel_loop3A_296 = arith.andi %parallel_loop3A_295, %parallel_loop3A_290 : i1
        %parallel_loop3A_297 = arith.addi %parallel_loop3A_288, %parallel_loop3A_287 : i32
        %parallel_loop3A_298 = arith.select %parallel_loop3A_296, %parallel_loop3A_297, %parallel_loop3A_288 : i32
        %parallel_loop3A_299 = arith.constant 16 : i32
        %parallel_loop3A_300 = arith.muli %parallel_loop3A_298, %parallel_loop3A_299 : i32
        %parallel_loop3A_301 = arith.index_cast %parallel_loop3A_282 : i32 to index
        %parallel_loop3A_302 = arith.index_cast %parallel_loop3A_300 : i32 to index
        %parallel_loop3A_303 = tpu.vector_load %arg16[%parallel_loop3A_301, %parallel_loop3A_302] {strides = array<i32>} : memref<1x256xf32, #tpu.memory_space<vmem>>, vector<16xf32>,
        %parallel_loop3A_304 = arith.index_cast %parallel_loop3A_282 : i32 to index
        %parallel_loop3A_305 = arith.index_cast %parallel_loop3A_300 : i32 to index
        %parallel_loop3A_306 = tpu.vector_load %arg17[%parallel_loop3A_304, %parallel_loop3A_305] {strides = array<i32>} : memref<1x256xi32, #tpu.memory_space<vmem>>, vector<16xi32>,
        %parallel_loop3A_307 = arith.index_cast %parallel_loop3A_282 : i32 to index
        %parallel_loop3A_308 = arith.index_cast %parallel_loop3A_300 : i32 to index
        %parallel_loop3A_309 = tpu.vector_load %arg18[%parallel_loop3A_307, %parallel_loop3A_308] {strides = array<i32>} : memref<1x256xi32, #tpu.memory_space<vmem>>, vector<16xi32>,
        %parallel_loop3A_310 = tpu.vector_load_idx %arg19[%parallel_loop3A_306] : memref<128xf32, #tpu.memory_space<vmem>>[vector<16xi32>], vector<16xf32>,
        %parallel_loop3A_311 = tpu.vector_load_idx %arg20[%parallel_loop3A_306] : memref<128xf32, #tpu.memory_space<vmem>>[vector<16xi32>], vector<16xf32>,
        %parallel_loop3A_312 = vector.broadcast %parallel_loop3A_258 : i32 to vector<16xi32>
        %parallel_loop3A_313 = arith.addi %iota3A_55, %parallel_loop3A_312 : vector<16xi32>
        %parallel_loop3A_314 = arith.constant 15 : i32
        %parallel_loop3A_315 = vector.broadcast %parallel_loop3A_314 : i32 to vector<16xi32>
        %parallel_loop3A_316 = arith.andi %parallel_loop3A_313, %parallel_loop3A_315 : vector<16xi32>
        %parallel_loop3A_317 = arith.constant 16 : i32
        %parallel_loop3A_318 = vector.broadcast %parallel_loop3A_317 : i32 to vector<16xi32>
        %parallel_loop3A_319 = arith.muli %parallel_loop3A_309, %parallel_loop3A_318 : vector<16xi32>
        %parallel_loop3A_320 = arith.addi %parallel_loop3A_319, %parallel_loop3A_316 : vector<16xi32>
        %parallel_loop3A_321 = arith.mulf %parallel_loop3A_303, %parallel_loop3A_310 : vector<16xf32>
        %parallel_loop3A_322 = arith.addf %parallel_loop3A_321, %parallel_loop3A_311 : vector<16xf32>
        tpu.vector_store_idx %arg21[%parallel_loop3A_320], %parallel_loop3A_322 {add = true} : memref<16384xf32, #tpu.memory_space<vmem>>[vector<16xi32>], vector<16xf32>,
      } {sc.loop_unroll_factor = 8 : i64, sc.parallel_access}
    } else {
    }
    %parallel_loop3A_215 = arith.constant 0 : i32
    %parallel_loop3A_216 = arith.constant 64 : i32
    %parallel_loop3A_217 = arith.constant 1 : i32
    scf.for %parallel_loop3A_218 = %parallel_loop3A_215 to %parallel_loop3A_216 step %parallel_loop3A_217  : i32 {
      %parallel_loop3A_219 = arith.constant 16 : i32
      %parallel_loop3A_220 = arith.muli %parallel_loop3A_218, %parallel_loop3A_219 : i32
      %parallel_loop3A_221 = vector.broadcast %parallel_loop3A_220 : i32 to vector<16xi32>
      %parallel_loop3A_222 = arith.addi %iota3A_55, %parallel_loop3A_221 : vector<16xi32>
      %parallel_loop3A_223 = arith.constant 16 : i32
      %parallel_loop3A_224 = vector.broadcast %parallel_loop3A_223 : i32 to vector<16xi32>
      %parallel_loop3A_225 = arith.muli %parallel_loop3A_222, %parallel_loop3A_224 : vector<16xi32>
      %parallel_loop3A_226 = tpu.vector_load_idx %arg21[%parallel_loop3A_225] : memref<16384xf32, #tpu.memory_space<vmem>>[vector<16xi32>], vector<16xf32>,
      %parallel_loop3A_227 = arith.constant 1 : i32
      %parallel_loop3A_228 = vector.broadcast %parallel_loop3A_227 : i32 to vector<16xi32>
      %parallel_loop3A_229 = arith.addi %parallel_loop3A_225, %parallel_loop3A_228 : vector<16xi32>
      %parallel_loop3A_230 = tpu.vector_load_idx %arg21[%parallel_loop3A_229] : memref<16384xf32, #tpu.memory_space<vmem>>[vector<16xi32>], vector<16xf32>,
      %parallel_loop3A_231 = arith.addf %parallel_loop3A_226, %parallel_loop3A_230 : vector<16xf32>
      %parallel_loop3A_232 = arith.constant 2 : i32
      %parallel_loop3A_233 = vector.broadcast %parallel_loop3A_232 : i32 to vector<16xi32>
      %parallel_loop3A_234 = arith.addi %parallel_loop3A_225, %parallel_loop3A_233 : vector<16xi32>
      %parallel_loop3A_235 = tpu.vector_load_idx %arg21[%parallel_loop3A_234] : memref<16384xf32, #tpu.memory_space<vmem>>[vector<16xi32>], vector<16xf32>,
      %parallel_loop3A_236 = arith.addf %parallel_loop3A_231, %parallel_loop3A_235 : vector<16xf32>
      %parallel_loop3A_237 = arith.constant 3 : i32
      %parallel_loop3A_238 = vector.broadcast %parallel_loop3A_237 : i32 to vector<16xi32>
      %parallel_loop3A_239 = arith.addi %parallel_loop3A_225, %parallel_loop3A_238 : vector<16xi32>
      %parallel_loop3A_240 = tpu.vector_load_idx %arg21[%parallel_loop3A_239] : memref<16384xf32, #tpu.memory_space<vmem>>[vector<16xi32>], vector<16xf32>,
      %parallel_loop3A_241 = arith.addf %parallel_loop3A_236, %parallel_loop3A_240 : vector<16xf32>
      %parallel_loop3A_242 = arith.constant 4 : i32
      %parallel_loop3A_243 = vector.broadcast %parallel_loop3A_242 : i32 to vector<16xi32>
      %parallel_loop3A_244 = arith.addi %parallel_loop3A_225, %parallel_loop3A_243 : vector<16xi32>
      %parallel_loop3A_245 = tpu.vector_load_idx %arg21[%parallel_loop3A_244] : memref<16384xf32, #tpu.memory_space<vmem>>[vector<16xi32>], vector<16xf32>,
      %parallel_loop3A_246 = arith.addf %parallel_loop3A_241, %parallel_loop3A_245 : vector<16xf32>
      %parallel_loop3A_247 = arith.constant 5 : i32
      %parallel_loop3A_248 = vector.broadcast %parallel_loop3A_247 : i32 to vector<16xi32>
      %parallel_loop3A_249 = arith.addi %parallel_loop3A_225, %parallel_loop3A_248 : vector<16xi32>
      %parallel_loop3A_250 = tpu.vector_load_idx %arg21[%parallel_loop3A_249] : memref<16384xf32, #tpu.memory_space<vmem>>[vector<16xi32>], vector<16xf32>,
      %parallel_loop3A_251 = arith.addf %parallel_loop3A_246, %parallel_loop3A_250 : vector<16xf32>
      %parallel_loop3A_252 = arith.constant 6 : i32
      %parallel_loop3A_253 = vector.broadcast %parallel_loop3A_252 : i32 to vector<16xi32>
      %parallel_loop3A_254 = arith.addi %parallel_loop3A_225, %parallel_loop3A_253 : vector<16xi32>
      %parallel_loop3A_255 = tpu.vector_load_idx %arg21[%parallel_loop3A_254] : memref<16384xf32, #tpu.memory_space<vmem>>[vector<16xi32>], vector<16xf32>,
      %parallel_loop3A_256 = arith.addf %parallel_loop3A_251, %parallel_loop3A_255 : vector<16xf32>
      %parallel_loop3A_257 = arith.constant 7 : i32
      %parallel_loop3A_258 = vector.broadcast %parallel_loop3A_257 : i32 to vector<16xi32>
      %parallel_loop3A_259 = arith.addi %parallel_loop3A_225, %parallel_loop3A_258 : vector<16xi32>
      %parallel_loop3A_260 = tpu.vector_load_idx %arg21[%parallel_loop3A_259] : memref<16384xf32, #tpu.memory_space<vmem>>[vector<16xi32>], vector<16xf32>,
      %parallel_loop3A_261 = arith.addf %parallel_loop3A_256, %parallel_loop3A_260 : vector<16xf32>
      %parallel_loop3A_262 = arith.constant 8 : i32
      %parallel_loop3A_263 = vector.broadcast %parallel_loop3A_262 : i32 to vector<16xi32>
      %parallel_loop3A_264 = arith.addi %parallel_loop3A_225, %parallel_loop3A_263 : vector<16xi32>
      %parallel_loop3A_265 = tpu.vector_load_idx %arg21[%parallel_loop3A_264] : memref<16384xf32, #tpu.memory_space<vmem>>[vector<16xi32>], vector<16xf32>,
      %parallel_loop3A_266 = arith.addf %parallel_loop3A_261, %parallel_loop3A_265 : vector<16xf32>
      %parallel_loop3A_267 = arith.constant 9 : i32
      %parallel_loop3A_268 = vector.broadcast %parallel_loop3A_267 : i32 to vector<16xi32>
      %parallel_loop3A_269 = arith.addi %parallel_loop3A_225, %parallel_loop3A_268 : vector<16xi32>
      %parallel_loop3A_270 = tpu.vector_load_idx %arg21[%parallel_loop3A_269] : memref<16384xf32, #tpu.memory_space<vmem>>[vector<16xi32>], vector<16xf32>,
      %parallel_loop3A_271 = arith.addf %parallel_loop3A_266, %parallel_loop3A_270 : vector<16xf32>
      %parallel_loop3A_272 = arith.constant 10 : i32
      %parallel_loop3A_273 = vector.broadcast %parallel_loop3A_272 : i32 to vector<16xi32>
      %parallel_loop3A_274 = arith.addi %parallel_loop3A_225, %parallel_loop3A_273 : vector<16xi32>
      %parallel_loop3A_275 = tpu.vector_load_idx %arg21[%parallel_loop3A_274] : memref<16384xf32, #tpu.memory_space<vmem>>[vector<16xi32>], vector<16xf32>,
      %parallel_loop3A_276 = arith.addf %parallel_loop3A_271, %parallel_loop3A_275 : vector<16xf32>
      %parallel_loop3A_277 = arith.constant 11 : i32
      %parallel_loop3A_278 = vector.broadcast %parallel_loop3A_277 : i32 to vector<16xi32>
      %parallel_loop3A_279 = arith.addi %parallel_loop3A_225, %parallel_loop3A_278 : vector<16xi32>
      %parallel_loop3A_280 = tpu.vector_load_idx %arg21[%parallel_loop3A_279] : memref<16384xf32, #tpu.memory_space<vmem>>[vector<16xi32>], vector<16xf32>,
      %parallel_loop3A_281 = arith.addf %parallel_loop3A_276, %parallel_loop3A_280 : vector<16xf32>
      %parallel_loop3A_282 = arith.constant 12 : i32
      %parallel_loop3A_283 = vector.broadcast %parallel_loop3A_282 : i32 to vector<16xi32>
      %parallel_loop3A_284 = arith.addi %parallel_loop3A_225, %parallel_loop3A_283 : vector<16xi32>
      %parallel_loop3A_285 = tpu.vector_load_idx %arg21[%parallel_loop3A_284] : memref<16384xf32, #tpu.memory_space<vmem>>[vector<16xi32>], vector<16xf32>,
      %parallel_loop3A_286 = arith.addf %parallel_loop3A_281, %parallel_loop3A_285 : vector<16xf32>
      %parallel_loop3A_287 = arith.constant 13 : i32
      %parallel_loop3A_288 = vector.broadcast %parallel_loop3A_287 : i32 to vector<16xi32>
      %parallel_loop3A_289 = arith.addi %parallel_loop3A_225, %parallel_loop3A_288 : vector<16xi32>
      %parallel_loop3A_290 = tpu.vector_load_idx %arg21[%parallel_loop3A_289] : memref<16384xf32, #tpu.memory_space<vmem>>[vector<16xi32>], vector<16xf32>,
      %parallel_loop3A_291 = arith.addf %parallel_loop3A_286, %parallel_loop3A_290 : vector<16xf32>
      %parallel_loop3A_292 = arith.constant 14 : i32
      %parallel_loop3A_293 = vector.broadcast %parallel_loop3A_292 : i32 to vector<16xi32>
      %parallel_loop3A_294 = arith.addi %parallel_loop3A_225, %parallel_loop3A_293 : vector<16xi32>
      %parallel_loop3A_295 = tpu.vector_load_idx %arg21[%parallel_loop3A_294] : memref<16384xf32, #tpu.memory_space<vmem>>[vector<16xi32>], vector<16xf32>,
      %parallel_loop3A_296 = arith.addf %parallel_loop3A_291, %parallel_loop3A_295 : vector<16xf32>
      %parallel_loop3A_297 = arith.constant 15 : i32
      %parallel_loop3A_298 = vector.broadcast %parallel_loop3A_297 : i32 to vector<16xi32>
      %parallel_loop3A_299 = arith.addi %parallel_loop3A_225, %parallel_loop3A_298 : vector<16xi32>
      %parallel_loop3A_300 = tpu.vector_load_idx %arg21[%parallel_loop3A_299] : memref<16384xf32, #tpu.memory_space<vmem>>[vector<16xi32>], vector<16xf32>,
      %parallel_loop3A_301 = arith.addf %parallel_loop3A_296, %parallel_loop3A_300 : vector<16xf32>
      %parallel_loop3A_302 = arith.constant 16 : i32
      %parallel_loop3A_303 = arith.muli %parallel_loop3A_218, %parallel_loop3A_302 : i32
      %parallel_loop3A_304 = arith.index_cast %parallel_loop3A_303 : i32 to index
      %parallel_loop3A_305 = tpu.vector_load %arg22[%parallel_loop3A_304] {strides = array<i32>} : memref<1024xf32, #tpu.memory_space<vmem>>, vector<16xf32>,
      tpu.vector_store %arg22[%parallel_loop3A_304], %parallel_loop3A_301 {strides = array<i32>} : memref<1024xf32, #tpu.memory_space<vmem>>, vector<16xf32>,
    } {sc.loop_unroll_factor = 4 : i64, sc.parallel_access}
    "tpu.region"() ({
      %run_scoped3A = tpu.sem_alloc : memref<!tpu.dma_semaphore, #tpu.memory_space<semaphore_mem>>
      %dma_start3A_218 = arith.constant 0 : i32
      %dma_start3A_219 = tpu.memref_slice %arg7[%add3A, %dma_start3A_218] : memref<32x1024xf32, #tpu.memory_space<hbm>> -> memref<1x1024xf32, #tpu.memory_space<hbm>>
      %dma_start3A_220 = tpu.memref_squeeze %dma_start3A_219 : memref<1x1024xf32, #tpu.memory_space<hbm>> -> memref<1024xf32, #tpu.memory_space<hbm>>
      %dma_start3A_221 = arith.constant 0 : i32
      %dma_start3A_222 = tpu.memref_slice %arg7[%add3A, %dma_start3A_221] : memref<32x1024xf32, #tpu.memory_space<hbm>> -> memref<1x1024xf32, #tpu.memory_space<hbm>>
      %dma_start3A_223 = tpu.memref_squeeze %dma_start3A_222 : memref<1x1024xf32, #tpu.memory_space<hbm>> -> memref<1024xf32, #tpu.memory_space<hbm>>
      tpu.enqueue_dma source(%arg22 : memref<1024xf32, #tpu.memory_space<vmem>>) target(%dma_start3A_223 : memref<1024xf32, #tpu.memory_space<hbm>>) target_semaphore(%run_scoped3A : memref<!tpu.dma_semaphore, #tpu.memory_space<semaphore_mem>>)
      %dma_wait3A_224 = arith.constant 0 : i32
      %dma_wait3A_225 = tpu.memref_slice %arg7[%add3A, %dma_wait3A_224] : memref<32x1024xf32, #tpu.memory_space<hbm>> -> memref<1x1024xf32, #tpu.memory_space<hbm>>
      %dma_wait3A_226 = tpu.memref_squeeze %dma_wait3A_225 : memref<1x1024xf32, #tpu.memory_space<hbm>> -> memref<1024xf32, #tpu.memory_space<hbm>>
      %dma_wait3A_227 = arith.constant 0 : i32
      %dma_wait3A_228 = tpu.memref_slice %arg7[%add3A, %dma_wait3A_227] : memref<32x1024xf32, #tpu.memory_space<hbm>> -> memref<1x1024xf32, #tpu.memory_space<hbm>>
      %dma_wait3A_229 = tpu.memref_squeeze %dma_wait3A_228 : memref<1x1024xf32, #tpu.memory_space<hbm>> -> memref<1024xf32, #tpu.memory_space<hbm>>
      tpu.wait_dma2 semaphore(%run_scoped3A : memref<!tpu.dma_semaphore, #tpu.memory_space<semaphore_mem>>) src(%arg22 : memref<1024xf32, #tpu.memory_space<vmem>>) dst(%dma_wait3A_229 : memref<1024xf32, #tpu.memory_space<hbm>>)
      tpu.yield
    }) : () -> ()
    return
  }
}

module attributes {stable_mosaic.version = 14 : i64} {
  func.func @_sum_partials_body(%arg0: memref<32x1024xf32, #tpu.memory_space<vmem>>, %arg1: memref<1024xf32, #tpu.memory_space<vmem>>) attributes {dimension_semantics = [], scalar_prefetch = 0 : i64, scratch_operands = 0 : i64, tpu.core_type = #tpu.core_type<tc>} {
    %get3A = arith.constant 0 : index
    %get3A_0 = arith.constant 0 : index
    %get3A_1 = vector.load %arg0[%get3A, %get3A_0] : memref<32x1024xf32, #tpu.memory_space<vmem>>, vector<32x1024xf32>
    %reduce_sum3A = arith.constant dense<0.000000e+00> : vector<1024xf32>
    %reduce_sum3A_2 = vector.multi_reduction <add>, %get3A_1, %reduce_sum3A [0] : vector<32x1024xf32> to vector<1024xf32>
    %swap3A = arith.constant 0 : index
    %swap3A_3 = vector.load %arg1[%swap3A] : memref<1024xf32, #tpu.memory_space<vmem>>, vector<1024xf32>
    tpu.vector_store %arg1[%swap3A], %reduce_sum3A_2 {strides = array<i32>} : memref<1024xf32, #tpu.memory_space<vmem>>, vector<1024xf32>,
    return
  }
}

</mosaic_0001>

<sc_bundles>
// kernel: kernel.4.cloned.1.call-start
scs
__scs_entry_jumppad:
0x0: {  	(pc) =	sbr.rel $0x88, $3  }
0x1: {  	(tag) =	ssettag $0x0;
	lr =	simm.s32 $0x1  }
0x2: {  	[smem:$0x3F9C] =	sst lr;
	_ =	strace $0xD0000000  }
0x3: {  	_ = 	snop  }
0x4: {  	_ = 	snop  }
0x5: {  	_ = 	snop  }
0x6: {  	_ = 	snop  }
0x7: {  	_ = 	snop  }
__scs_overlays_trampoline_lowered:
0x8: {  	[smem:$0x3FAB] =	sst s0  }
0x9: {  	[smem:$0x3FAC] =	sst s1  }
0xa: {  	[smem:$0x3FAD] =	sst s2  }
0xb: {  	[smem:$0x3FAE] =	sst s3  }
0xc: {  	[smem:$0x3FAF] =	sst s4  }
0xd: {  	[smem:$0x3FB0] =	sst s5  }
0xe: {  	[smem:$0x3FB1] =	sst s6  }
0xf: {  	[smem:$0x3FB2] =	sst s7  }
0x10: {  	[smem:$0x3FB3] =	sst s8  }
0x11: {  	[smem:$0x3FB4] =	sst s9;
	s0 =	simm.s32 @!p0 $0x0  }
0x12: {  	s1 =	sld [smem:$0x3F9A];
	s0 =	simm.s32 @p0 $0x1  }
0x13: {  	[smem:$0x3FB5] =	sst s0;
	s0 =	simm.s32 @!p1 $0x0  }
0x14: {  	s2 =	sld [smem:$0x3F99];
	s0 =	simm.s32 @p1 $0x1  }
0x15: {  	[smem:$0x3FB6] =	sst s0;
	s0 =	simm.s32 @!p2 $0x0  }
0x16: {  	s3 =	sld [smem:$0x3FDB];
	s0 =	simm.s32 @p2 $0x1  }
0x17: {  	s4 =	simm.s32 $0x1BF5;
	[smem:$0x3FB8] =	sst s0  }
0x18: {  	s0 =	sld [smem:$0x3F9B];
	_ =	swait.ge [sflag:s4], $0x0  }
0x19: {  	s7 =	sld [smem:$0x3F9C]  }
0x1a: {  	s8 =	sadd.s32 $0xFFFFE003, lr  }
0x1b: {  	s9 =	sadd.s32 $0xFFFFFEF7, lr;
	s5 =	simm.s32 $0xFFFFFFFF;
	p2 =	slt.u32 s8, $0xFFFFF086  }
0x1c: {  	p1 =	slt.u32 s9, $0xF7A;
	s5 =	simm.s32 @!p2 $0x0  }
0x1d: {  	s5 =	simm.s32 @p1 $0x1;
	p0 =	seq.s32 s7, s2  }
0x1e: {  	s7 =	smul.u32 @!p0 $0xF7A, s2;
	p2 =	seq.s32 @!p0 s5, $0x0  }
0x1f: {  	s9 =	smul.u32 $0xF7A, s1;
	s8 =	simm.s32 @!p0 $0x1BF5;
	p2 =	por !p2, p0  }
0x20: {  	[sflag:s8] =	ssyncset.s32 @!p0 $0xFFFFF086;
	s6 =	sadd.s32 @!p0 s3, s7;
	s7 =	simm.s32 @!p0 $0x108  }
0x21: {  	s3 =	sadd.s32 s3, s9;
	s6 =	sadd.s32 @!p0 $0x88, s6;
	s7 =	simm.s32 @p2 $0x1082  }
0x22: {  	[simem:s7], [sflag:s8] =	dma.local @!p0 [hbm:s6], $0xF7A  }
0x23: {  	s9 =	sor.u32 $0xD0000000, s2;
	s6 =	simm.s32 $0x108;
	_ =	swait.ge @!p0 [sflag:s8], $0x0  }
0x24: {  	s3 =	sadd.s32 $0x88, s3;
	s6 =	simm.s32 @!p1 $0x1082;
	[sflag:s4] =	ssyncset.s32 $0xFFFFF086  }
0x25: {  	[simem:s6], [sflag:s4] =	dma.local [hbm:s3], $0xF7A  }
0x26: {  	[smem:$0x3F9C] =	sst s1;
	(tag) =	ssettag s2;
	_ =	strace s9  }
0x27: {  	s1 =	sld [smem:$0x3FAC]  }
0x28: {  	s2 =	sld [smem:$0x3FAD]  }
0x29: {  	s4 =	sld [smem:$0x3FAF]  }
0x2a: {  	p0 =	seq.s32 s5, $0x0;
	s5 =	sld [smem:$0x3FB0]  }
0x2b: {  	s6 =	sld [smem:$0x3FB1]  }
0x2c: {  	s7 =	sld [smem:$0x3FB2]  }
0x2d: {  	s3 =	simm.s32 $0x108;
	s8 =	sld [smem:$0x3FB3]  }
0x2e: {  	s3 =	simm.s32 @!p0 $0x1082;
	s9 =	sld [smem:$0x3FB4]  }
0x2f: {  	lr =	sadd.s32 s0, s3;
	s0 =	sld [smem:$0x3FAB]  }
0x30: {  	s3 =	sld [smem:$0x3FAE]  }
0x31: {  	[smem:$0x3FB7] =	sst s10  }
0x32: {  	s10 =	sld [smem:$0x3FB5];
	_ =	sdelay $0x3  }
0x33: {  	p0 =	seq.s32 s10, $0x1;
	s10 =	sld [smem:$0x3FB7];
	_ =	sdelay $0x3  }
0x34: {  	[smem:$0x3FB7] =	sst s10  }
0x35: {  	s10 =	sld [smem:$0x3FB6];
	_ =	sdelay $0x3  }
0x36: {  	p1 =	seq.s32 s10, $0x1;
	s10 =	sld [smem:$0x3FB7];
	_ =	sdelay $0x3  }
0x37: {  	[smem:$0x3FB7] =	sst s10  }
0x38: {  	s10 =	sld [smem:$0x3FB8]  }
0x39: {  	_ = 	snop;
	(pc) =	sbr.ind lr, $3  }
0x3a: {  	_ = 	snop  }
0x3b: {  	_ = 	snop  }
0x3c: {  	p2 =	seq.s32 s10, $0x1;
	s10 =	sld [smem:$0x3FB7]  }
0x3d: {  	_ =	shalt  }
0x3e: {  	_ =	shalt  }
0x3f: {  	_ =	shalt  }
0x40: {  	_ =	shalt  }
0x41: {  	_ =	shalt  }
0x42: {  	_ =	shalt  }
0x43: {  	_ =	shalt  }
0x44: {  	_ =	shalt  }
0x45: {  	_ =	shalt  }
0x46: {  	_ =	shalt  }
0x47: {  	_ =	shalt  }
0x48: {  	_ =	shalt  }
0x49: {  	_ =	shalt  }
0x4a: {  	_ =	shalt  }
0x4b: {  	_ =	shalt  }
0x4c: {  	_ =	shalt  }
0x4d: {  	_ =	shalt  }
0x4e: {  	_ =	shalt  }
0x4f: {  	_ =	shalt  }
0x50: {  	_ =	shalt  }
0x51: {  	_ =	shalt  }
0x52: {  	_ =	shalt  }
0x53: {  	_ =	shalt  }
0x54: {  	_ =	shalt  }
0x55: {  	_ =	shalt  }
0x56: {  	_ =	shalt  }
0x57: {  	_ =	shalt  }
0x58: {  	_ =	shalt  }
0x59: {  	_ =	shalt  }
0x5a: {  	_ =	shalt  }
0x5b: {  	_ =	shalt  }
0x5c: {  	_ =	shalt  }
0x5d: {  	_ =	shalt  }
0x5e: {  	_ =	shalt  }
0x5f: {  	_ =	shalt  }
0x60: {  	_ =	shalt  }
0x61: {  	_ =	shalt  }
0x62: {  	_ =	shalt  }
0x63: {  	_ =	shalt  }
0x64: {  	_ =	shalt  }
0x65: {  	_ =	shalt  }
0x66: {  	_ =	shalt  }
0x67: {  	_ =	shalt  }
0x68: {  	_ =	shalt  }
0x69: {  	_ =	shalt  }
0x6a: {  	_ =	shalt  }
0x6b: {  	_ =	shalt  }
0x6c: {  	_ =	shalt  }
0x6d: {  	_ =	shalt  }
0x6e: {  	_ =	shalt  }
0x6f: {  	_ =	shalt  }
0x70: {  	_ =	shalt  }
0x71: {  	_ =	shalt  }
0x72: {  	_ =	shalt  }
0x73: {  	_ =	shalt  }
0x74: {  	_ =	shalt  }
0x75: {  	_ =	shalt  }
0x76: {  	_ =	shalt  }
0x77: {  	_ =	shalt  }
0x78: {  	_ =	shalt  }
0x79: {  	_ =	shalt  }
0x7a: {  	_ =	shalt  }
0x7b: {  	_ =	shalt  }
0x7c: {  	_ =	shalt  }
0x7d: {  	_ =	shalt  }
0x7e: {  	_ =	shalt  }
0x7f: {  	_ =	shalt  }
0x80: {  	_ =	shalt  }
0x81: {  	_ =	shalt  }
0x82: {  	_ =	shalt  }
0x83: {  	_ =	shalt  }
0x84: {  	_ =	shalt  }
0x85: {  	_ =	shalt  }
0x86: {  	_ =	shalt  }
0x87: {  	_ =	shalt  }
.Lfunc_end0:
.L_simem_size_0:
called_computation_lowered:
.L_overlay_start_0:
0x88: {  	s2 =	sld [smem:$0x3FD9]  }
0x89: {  	s3 =	sld [smem:$0x3FFE];
	_ =	sdelay $0x1  }
0x8a: {  	s1 =	srdreg.scid  }
0x8b: {  	s0 =	sand.u32 $0x1, s1  }
0x8c: {  	s17 =	sshll.u32 s0, $0xA;
	s2 =	sadd.s32 s3, s2  }
0x8d: {  	s2 =	sadd.s32 s2, s17  }
0x8e: {  	[smem:$0x3FC3] =	sst s2  }
0x8f: {  	_ = 	snop  }
0x90: {  	s2 =	sld [smem:$0x3FC9]  }
0x91: {  	s18 =	sld [smem:$0x3FC8]  }
0x92: {  	s4 =	sld [smem:$0x3FC7]  }
0x93: {  	s5 =	sld [smem:$0x3FC6]  }
0x94: {  	s6 =	sld [smem:$0x3FC5];
	(tm) =	ssettm $0x1  }
0x95: {  	s7 =	sld [smem:$0x3FFB];
	_ =	sdelay $0x3  }
0x96: {  	_ =	strace s7  }
0x97: {  	s7 =	sld [smem:$0x3FFC];
	_ =	sdelay $0x3  }
0x98: {  	_ =	strace s7  }
0x99: {  	s7 =	sld [smem:$0x3FFD];
	_ =	sdelay $0x3  }
0x9a: {  	_ =	strace s7  }
0x9b: {  	_ =	strace $0x8FFFFFFF  }
0x9c: {  	s19 =	sld [smem:$0x3FDB];
	_ =	sdelay $0x1  }
0x9d: {  	s8 =	simm.s32 $_scs_section_size  }
0x9e: {  	s9 =	simm.s32 $_size__tile_overlayer_lowered;
	s10 =	simm.s32 $_tile_overlayer_lowered  }
0x9f: {  	s22 =	simm.s32 $0x1BFF;
	s21 =	sshll.u32 s10, $0x1;
	s7 =	sadd.s32 s8, s19  }
0xa0: {  	s11 =	simm.s32 $0x0;
	s20 =	sshll.u32 s9, $0x1;
	s9 =	sadd.s32 s21, s7  }
0xa1: {  	[timem:s11], [sflag:s22] =	dma.local [hbm:s9], s20  }
0xa2: {  	_ =	swait.ge [sflag:s22], s20  }
0xa3: {  	s8 =	ssub.s32 $0x0, s20;
	[sflag:s22] =	ssyncset.done $0x0  }
0xa4: {  	[sflag:s22] =	ssyncadd.s32 s8;
	_ =	sdelay $0x1  }
0xa5: {  	s23 =	simm.s32 $0x1B8B  }
0xa6: {  	_ =	swait.ge [sflag:s23], $0x1  }
0xa7: {  	[sflag:s23] =	ssyncset.done $0x0  }
0xa8: {  	s25 =	simm.s32 $0x1B8E;
	s24 =	sld [smem:$0x3FFE];
	[sflag:s23] =	ssyncadd.s32 $0xFFFFFFFF  }
0xa9: {  	s26 =	simm.s32 $execute0_lowered;
	[smem:$0x3FD2] =	sst s25  }
0xaa: {  	s9 =	sshll.u32 s26, $0x1;
	_ =	strace $0x80000046;
	[dreg:$0x1] =	wrdreg $0xFFFFFFFF  }
0xab: {  	s28 =	simm.s32 $_size_execute0_lowered;
	s7 =	sadd.s32 s7, s9;
	[dreg:$0x0] =	wrdreg $0x0  }
0xac: {  	s9 =	sshll.u32 s28, $0x1;
	[dreg:$0x2] =	wrdreg s7  }
0xad: {  	[dreg:$0x3] =	wrdreg s9  }
0xae: {  	[dreg:$0x4] =	wrdreg $0xC0  }
0xaf: {  	_ =	task [dreg:s11], $0x5FFFF  }
0xb0: {  	[dreg:$0x1] =	wrdreg $0xFFFFFFFF  }
0xb1: {  	[dreg:$0x0] =	wrdreg $0x60  }
0xb2: {  	[dreg:$0x2] =	wrdreg s2  }
0xb3: {  	[dreg:$0x3] =	wrdreg s18  }
0xb4: {  	[dreg:$0x4] =	wrdreg s4  }
0xb5: {  	[dreg:$0x5] =	wrdreg s6  }
0xb6: {  	[dreg:$0x6] =	wrdreg s5  }
0xb7: {  	[dreg:$0x7] =	wrdreg s24  }
0xb8: {  	[dreg:$0x8] =	wrdreg $0x9  }
0xb9: {  	_ =	task.clear_ibuf [dreg:s11], $0x9FFFF;
	_ =	strace $0x90000046  }
0xba: {  	s29 =	simm.s32 $0x9;
	_ =	strace $0x80000048  }
0xbb: {  	_ =	swait.ge [sflag:s29], $0x1  }
0xbc: {  	[sflag:s29] =	ssyncadd.s32 $0xFFFFFFFF  }
0xbd: {  	_ =	strace $0x90000048  }
0xbe: {  	_ =	sfence  }
0xbf: {  	s30 =	sld [smem:$0x0];
	_ =	sdelay $0x2  }
0xc0: {  	s31 =	sshll.u32 s1, $0xD;
	s1 =	sshrl.u32 s1, $0x2  }
0xc1: {  	s3 =	sand.u32 $0x4000, s31;
	s1 =	sadd.s32 s1, s30  }
0xc2: {  	s0 =	sor.u32 s3, s0;
	s1 =	sshll.u32 s1, $0x11  }
0xc3: {  	s0 =	sor.u32 s1, s0  }
0xc4: {  	s0 =	sadd.s32 $0x8F2B, s0  }
0xc5: {  	[sflag:s0] =	ssyncadd.remote.s32 $0x1  }
0xc6: {  	_ =	sfence.sel $0xFFFF  }
0xc7: {  	[dreg:$0x0] =	wrdreg $0xFFFFFFFF;
	(pc) =	sbr.abs _section_cstart, $3  }
0xc8: {  	[dreg:$0x1] =	wrdreg $0xFFFFFFFF  }
0xc9: {  	_ =	task.clear_ibuf [dreg:s11], $0x2FFFF;
	_ =	strace $0x9FFFFFFF  }
0xca: {  	(tm) =	ssettm $0x7FFFFFFF  }
0xcb: {  	_ =	shalt  }
tec
execute0_lowered:
.L_overlay_start_1:
0x0: {  	(tag) =	ssettag $0x1  }
0x1: {  	s4 =	srdreg.scid;
	s6 =	stileid.u32  }
0x2: {  	s1 =	rddreg [dreg:$0x0];
	s4 =	sand.u32 $0x1, s4;
	s5 =	sshll.u32 s6, $0x1  }
0x3: {  	s2 =	rddreg [dreg:$0x1];
	s5 =	sor.u32 s4, s5  }
0x4: {  	s3 =	rddreg [dreg:$0x2];
	s7 =	simm.s32 $0x0;
	v0 =	vlaneseq.u32;
	s10 =	smul.u32 $0xC3, s5  }
0x5: {  	[smem:$0x7FF] =	sst s7;
	v8 =	vand.u32 $0x7, v0  }
0x6: {  	s0 =	rddreg [dreg:$0x5];
	_ =	strace $0x80000047;
	[tilespmem:$0x1FFF0] =	vst v8;
	s13 =	sadd.s32 $0x10, s10;
	v1 =	vadd.s32 s10, v0  }
0x7: {  	s14 =	sadd.s32 $0x20, s10;
	[tilespmem:$0x1FEF0] =	vst v1;
	v1 =	vadd.s32 s13, v0  }
0x8: {  	s15 =	sadd.s32 $0x30, s10;
	[tilespmem:$0x1FF00] =	vst v1;
	v1 =	vadd.s32 s14, v0  }
0x9: {  	s16 =	sadd.s32 $0x40, s10;
	[tilespmem:$0x1FF10] =	vst v1;
	v1 =	vadd.s32 s15, v0  }
0xa: {  	s17 =	sadd.s32 $0x41, s10;
	[tilespmem:$0x1FF20] =	vst v1;
	v1 =	vadd.s32 s16, v0  }
0xb: {  	s18 =	sadd.s32 $0x51, s10;
	[tilespmem:$0x1FF30] =	vst v1;
	v1 =	vadd.s32 s17, v0  }
0xc: {  	s19 =	sadd.s32 $0x61, s10;
	[tilespmem:$0x1FF40] =	vst v1;
	v1 =	vadd.s32 s18, v0  }
0xd: {  	s20 =	sadd.s32 $0x71, s10;
	[tilespmem:$0x1FF50] =	vst v1;
	v1 =	vadd.s32 s19, v0  }
0xe: {  	s11 =	simm.s32 $0x18600;
	s28 =	simm.s32 $0x3;
	s21 =	sadd.s32 $0x81, s10;
	[tilespmem:$0x1FF60] =	vst v1;
	v1 =	vadd.s32 s20, v0  }
0xf: {  	s30 =	simm.s32 $0x0;
	p0 =	sgt.u32 s6, $0x4;
	s22 =	sadd.s32 $0x82, s10;
	[tilespmem:$0x1FF70] =	vst v1;
	v1 =	vadd.s32 s21, v0  }
0x10: {  	s4 =	ssub.s32 $0x2, s4;
	s8 =	sshll.u32 s5, $0x7;
	s23 =	sadd.s32 $0x92, s10;
	[tilespmem:$0x1FF80] =	vst v1;
	v1 =	vadd.s32 s22, v0  }
0x11: {  	s31 =	sshrl.u32 s4, $0x1;
	s5 =	sor.u32 $0x1860, s5;
	s24 =	sadd.s32 $0xA2, s10;
	[tilespmem:$0x1FF90] =	vst v1;
	v1 =	vadd.s32 s23, v0  }
0x12: {  	s0 =	sadd.s32 s8, s0;
	s4 =	ssub.s32 s4, s31;
	s25 =	sadd.s32 $0xB2, s10;
	[tilespmem:$0x1FFA0] =	vst v1;
	v1 =	vadd.s32 s24, v0  }
0x13: {  	s26 =	sadd.s32 $0xC2, s10;
	s8 =	sadd.s32 $0x400, s0;
	s9 =	smax.u32 s4, $0x1;
	[tilespmem:$0x1FFB0] =	vst v1;
	v1 =	vadd.s32 s25, v0  }
0x14: {  	s10 =	simm.s32 $0x41;
	s13 =	simm.s32 $0x8200;
	s14 =	simm.s32 $0x189A0;
	[tilespmem:$0x1FFC0] =	vst v1;
	v1 =	vadd.s32 s26, v0  }
0x15: {  	s15 =	simm.s32 $0x4;
	s16 =	simm.s32 $0x18A20;
	s17 =	simm.s32 $0x1;
	[tilespmem:$0x1FFD0] =	vst v1;
	v1 =	vadd.s32 s5, v0  }
0x16: {  	v2 =	vimm.f32 $0.0e+00;
	v11 =	vmul.u32 $0x10, v0;
	s18 =	simm.s32 $0x18650;
	s22 =	simm.s32 $0x18AA0;
	s23 =	simm.s32 $0x2;
	[tilespmem:$0x1FFE0] =	vst v1  }
.LBB2_1:
0x17: {  	v1 =	vld [tilespmem:$0x1FEF0];
	_ =	sdelay $0x4  }
0x18: {  	[tilespmem:$0x18600] =	vst v1;
	v1 =	vld [tilespmem:$0x1FF00];
	_ =	sdelay $0x4  }
0x19: {  	[tilespmem:$0x18610] =	vst v1;
	v1 =	vld [tilespmem:$0x1FF10];
	_ =	sdelay $0x4  }
0x1a: {  	[tilespmem:$0x18620] =	vst v1;
	v1 =	vld [tilespmem:$0x1FF20];
	_ =	sdelay $0x4  }
0x1b: {  	[tilespmem:$0x18630] =	vst v1;
	v1 =	vld [tilespmem:$0x1FF30];
	_ =	sdelay $0x4  }
0x1c: {  	[tilespmem:$0x18640] =	vst v1  }
0x1d: {  	[tilespmem:s7], [sflag:$0x1] =	stream.indirect.gather [hbm4b:s1+s10], $0x100, s11, s10, $0xb8;
	[tilespmem:$0x1CEA0] =	vst v63  }
0x1e: {  	s0 =	simm.s32 $0x4100  }
0x1f: {  	[tilespmem:s0], [sflag:$0x1] =	stream.indirect.gather [hbm4b:s2+s10], $0x100, s11, s10, $0xb8;
	[tilespmem:$0x1CEA0] =	vst v63  }
0x20: {  	_ = 	snop  }
0x21: {  	[tilespmem:s13], [sflag:$0x1] =	stream.indirect.gather [hbm4b:s3+s10], $0x100, s11, s10, $0xb8;
	[tilespmem:$0x1CEA0] =	vst v63  }
0x22: {  	s29 =	rddreg [dreg:$0x3]  }
0x23: {  	[tilespmem:s14], [sflag:$0x4] =	stream.linear.gather [hbm4b:s29+s7], $0x64, $0x38;
	[tilespmem:$0x1CEA0] =	vst v63  }
0x24: {  	_ =	swait.ge [sflag:s15], $0x64  }
0x25: {  	[sflag:s15] =	ssyncset.done $0x0  }
0x26: {  	[sflag:s15] =	ssyncadd.s32 $0xFFFFFF9C  }
0x27: {  	s31 =	rddreg [dreg:$0x4]  }
0x28: {  	[tilespmem:s16], [sflag:$0x4] =	stream.linear.gather [hbm4b:s31+s7], $0x64, $0x38;
	[tilespmem:$0x1CEA0] =	vst v63  }
0x29: {  	_ =	swait.ge [sflag:s15], $0x64  }
0x2a: {  	[sflag:s15] =	ssyncset.done $0x0  }
0x2b: {  	s0 =	simm.s32 $0x18AE0;
	[sflag:s15] =	ssyncadd.s32 $0xFFFFFF9C  }
0x2c: {  	[tilespmem:s0+$0xFFFFFFC0] =	vst v2  }
0x2d: {  	[tilespmem:s0+$0x30] =	vst v2  }
0x2e: {  	[tilespmem:s0+$0x20] =	vst v2  }
0x2f: {  	[tilespmem:s0+$0x10] =	vst v2  }
0x30: {  	[tilespmem:s0+$0x0] =	vst v2  }
0x31: {  	[tilespmem:s0+$0xFFFFFFF0] =	vst v2  }
0x32: {  	s4 =	simm.s32 $0x0;
	[tilespmem:s0+$0xFFFFFFE0] =	vst v2  }
.LBB2_2:
0x33: {  	s4 =	sadd.s32 $0x80, s4;
	[tilespmem:s0+$0xFFFFFFD0] =	vst v2;
	s0 =	sadd.s32 $0x80, s0  }
0x34: {  	[tilespmem:s0+$0xFFFFFFC0] =	vst v2;
	p1 =	slt.u32 s4, $0x3F80  }
0x35: {  	[tilespmem:s0+$0x30] =	vst v2  }
.Ltmp0:
0x36: {  	[tilespmem:s0+$0x20] =	vst v2;
	(pc) =	sbr.rel @p1 .LBB2_2-.Ltmp0, $4  }
0x37: {  	[tilespmem:s0+$0x10] =	vst v2  }
0x38: {  	[tilespmem:s0+$0x0] =	vst v2  }
0x39: {  	[tilespmem:s0+$0xFFFFFFF0] =	vst v2  }
0x3a: {  	[tilespmem:s0+$0xFFFFFFE0] =	vst v2  }
0x3b: {  	[tilespmem:s0+$0xFFFFFFD0] =	vst v2  }
0x3c: {  	_ =	swait.ge [sflag:s17], $0x4100  }
0x3d: {  	[sflag:s17] =	ssyncset.done $0x0  }
0x3e: {  	[sflag:s17] =	ssyncadd.s32 $0xFFFFBF00  }
0x3f: {  	_ =	swait.ge [sflag:s17], $0x4100  }
0x40: {  	[sflag:s17] =	ssyncset.done $0x0  }
0x41: {  	[sflag:s17] =	ssyncadd.s32 $0xFFFFBF00  }
0x42: {  	_ =	swait.ge [sflag:s17], $0x4100  }
0x43: {  	v1 =	vld [tilespmem:$0x1FF40];
	_ =	sdelay $0x2  }
0x44: {  	[sflag:s17] =	ssyncset.done $0x0  }
0x45: {  	[sflag:s17] =	ssyncadd.s32 $0xFFFFBF00  }
0x46: {  	[tilespmem:$0x18650] =	vst v1;
	v1 =	vld [tilespmem:$0x1FF50];
	_ =	sdelay $0x4  }
0x47: {  	[tilespmem:$0x18660] =	vst v1;
	v1 =	vld [tilespmem:$0x1FF60];
	_ =	sdelay $0x4  }
0x48: {  	[tilespmem:$0x18670] =	vst v1;
	v1 =	vld [tilespmem:$0x1FF70];
	_ =	sdelay $0x4  }
0x49: {  	[tilespmem:$0x18680] =	vst v1;
	v1 =	vld [tilespmem:$0x1FF80];
	_ =	sdelay $0x4  }
0x4a: {  	s12 =	simm.s32 $0xC300;
	[tilespmem:$0x18690] =	vst v1  }
0x4b: {  	[tilespmem:s12], [sflag:$0x2] =	stream.indirect.gather [hbm4b:s1+s10], $0x100, s18, s10, $0xb8;
	[tilespmem:$0x1CEA0] =	vst v63  }
0x4c: {  	s19 =	simm.s32 $0x10400;
	s20 =	simm.s32 $0x14500  }
0x4d: {  	[tilespmem:s19], [sflag:$0x2] =	stream.indirect.gather [hbm4b:s2+s10], $0x100, s18, s10, $0xb8;
	[tilespmem:$0x1CEA0] =	vst v63  }
0x4e: {  	s21 =	simm.s32 $0x0;
	s31 =	simm.s32 $0x4100;
	s4 =	simm.s32 $0x8200  }
0x4f: {  	[tilespmem:s20], [sflag:$0x2] =	stream.indirect.gather [hbm4b:s3+s10], $0x100, s18, s10, $0xb8;
	[tilespmem:$0x1CEA0] =	vst v63  }
0x50: {  	s5 =	simm.s32 $0x0;
	s24 =	simm.s32 $0x10;
	s26 =	simm.s32 $0x20;
	v1 =	vld [tilespmem:s21+$0x0]  }
0x51: {  	s5 =	sand.u32 $0x7F00, s5;
	s25 =	sand.u32 $0x90, s24;
	s24 =	sand.u32 $0xA0, s26;
	v2 =	vld [tilespmem:s4+$0x0]  }
0x52: {  	s24 =	sor.u32 s5, s24;
	v3 =	vld [tilespmem:s31+$0x0]  }
0x53: {  	s26 =	simm.s32 $0x50;
	v5 =	vld [tilespmem:s24+$0x0]  }
0x54: {  	s26 =	sand.u32 $0xD0, s26;
	v6 =	vld [tilespmem:s24+$0x4100]  }
0x55: {  	s12 =	sor.u32 s5, s26;
	v7 =	vld [tilespmem:s24+$0x8200]  }
0x56: {  	v30 =	vld [tilespmem:s12+$0x8200]  }
0x57: {  	v32 =	vld [tilespmem:s12+$0x4100]  }
0x58: {  	s4 =	sor.u32 s5, s25;
	v39 =	vld [tilespmem:s12+$0x0]  }
0x59: {  	s29 =	simm.s32 $0x30;
	v4 =	vld [tilespmem:s4+$0x0]  }
0x5a: {  	s24 =	sand.u32 $0xB0, s29;
	v16 =	vld [tilespmem:s4+$0x8200]  }
0x5b: {  	v20 =	vld [tilespmem:s4+$0x4100];
	s24 =	sor.u32 s5, s24  }
0x5c: {  	s25 =	simm.s32 $0x40;
	v22 =	vld [tilespmem:s24+$0x8200]  }
0x5d: {  	s6 =	simm.s32 $0x70;
	s25 =	sand.u32 $0xC0, s25;
	v23 =	vld [tilespmem:s24+$0x0]  }
0x5e: {  	s4 =	sand.u32 $0xF0, s6;
	s25 =	sor.u32 s5, s25;
	v28 =	vld [tilespmem:s24+$0x4100]  }
0x5f: {  	s4 =	sor.u32 s5, s4;
	v21 =	vld [tilespmem:s25+$0x0]  }
0x60: {  	v24 =	vld [tilespmem:s4+$0x0]  }
0x61: {  	v27 =	vld [tilespmem:s25+$0x8200]  }
0x62: {  	s6 =	simm.s32 $0x60;
	v29 =	vld [tilespmem:s25+$0x4100]  }
0x63: {  	s6 =	sand.u32 $0xE0, s6;
	v34 =	vld [tilespmem:s4+$0x4100]  }
0x64: {  	s5 =	sor.u32 s5, s6;
	v35 =	vld [tilespmem:s4+$0x8200]  }
0x65: {  	v31 =	vld [tilespmem:s5+$0x0]  }
0x66: {  	v33 =	vld [tilespmem:s5+$0x8200]  }
0x67: {  	v37 =	vld [tilespmem:s5+$0x4100]  }
0x68: {  	v25 =	vld.idx.msk [tilespmem:v6+s14+$0x0], $0xffff  }
0x69: {  	v26 =	vld.idx.msk [tilespmem:v3+s16+$0x0], $0xffff  }
0x6a: {  	v3 =	vld.idx.msk [tilespmem:v3+s14+$0x0], $0xffff  }
0x6b: {  	s26 =	simm.s32 $0x7;
	v49 =	vld.idx.msk [tilespmem:v32+s14+$0x0], $0xffff  }
0x6c: {  	v38 =	vadd.s32 s21, v0;
	v58 =	vadd.s32 s26, v0;
	s19 =	simm.s32 $0x3;
	v32 =	vld.idx.msk [tilespmem:v32+s16+$0x0], $0xffff  }
0x6d: {  	v38 =	vand.u32 $0x8, v38;
	v59 =	vand.u32 $0xF, v58;
	v40 =	vadd.s32 s19, v0;
	s20 =	simm.s32 $0x4;
	s29 =	simm.s32 $0x1;
	v6 =	vld.idx.msk [tilespmem:v6+s16+$0x0], $0xffff  }
0x6e: {  	v40 =	vand.u32 $0xF, v40;
	s21 =	simm.s32 $0x6;
	v47 =	vadd.s32 s20, v0;
	v61 =	vadd.s32 s29, v0;
	s24 =	simm.s32 $0x5;
	v56 =	vld.idx.msk [tilespmem:v20+s14+$0x0], $0xffff  }
0x6f: {  	v48 =	vadd.s32 s21, v0;
	v62 =	vand.u32 $0xF, v61;
	v52 =	vadd.s32 s24, v0;
	s25 =	simm.s32 $0x2;
	v20 =	vld.idx.msk [tilespmem:v20+s16+$0x0], $0xffff  }
0x70: {  	v53 =	vadd.s32 s25, v0;
	v2 =	vshll.u32 v2, $0x4;
	v7 =	vshll.u32 v7, $0x4;
	v36 =	vld.idx.msk [tilespmem:v28+s14+$0x0], $0xffff  }
0x71: {  	v30 =	vshll.u32 v30, $0x4;
	v2 =	vor.u32 v38, v2;
	v38 =	vand.u32 $0xF, v48;
	v28 =	vld.idx.msk [tilespmem:v28+s16+$0x0], $0xffff  }
0x72: {  	v16 =	vshll.u32 v16, $0x4;
	v22 =	vshll.u32 v22, $0x4;
	v2 =	vor.u32 v8, v2;
	v46 =	vld.idx.msk [tilespmem:v29+s14+$0x0], $0xffff  }
0x73: {  	v22 =	vor.u32 v40, v22;
	v27 =	vshll.u32 v27, $0x4;
	v33 =	vshll.u32 v33, $0x4;
	v54 =	vld.idx.msk [tilespmem:v37+s14+$0x0], $0xffff  }
0x74: {  	v50 =	vor.u32 v38, v33;
	v1 =	vmul.f32 v3, v1;
	v3 =	vld.idx.msk [tilespmem:v29+s16+$0x0], $0xffff;
	v29 =	vand.u32 $0xF, v47  }
0x75: {  	v51 =	vld.idx.msk [tilespmem:v34+s16+$0x0], $0xffff;
	v55 =	vmul.f32 v49, v39;
	v5 =	vmul.f32 v25, v5;
	v27 =	vor.u32 v29, v27  }
0x76: {  	v57 =	vld.idx.msk [tilespmem:v37+s16+$0x0], $0xffff;
	v1 =	vadd.f32 v26, v1;
	v23 =	vmul.f32 v36, v23;
	v36 =	vand.u32 $0xF, v52  }
0x77: {  	v34 =	vld.idx.msk [tilespmem:v34+s14+$0x0], $0xffff;
	v4 =	vmul.f32 v56, v4;
	v21 =	vmul.f32 v46, v21;
	v30 =	vor.u32 v36, v30  }
0x78: {  	v60 =	vadd.f32 v32, v55;
	v23 =	vadd.f32 v28, v23;
	v28 =	vand.u32 $0xF, v53;
	[tilespmem:v2+s22+$0x0] =	vst.idx.add.f32.msk $0xffff, v1  }
0x79: {  	v1 =	vor.u32 v62, v16;
	v2 =	vmul.f32 v54, v31;
	v3 =	vadd.f32 v3, v21  }
0x7a: {  	v35 =	vshll.u32 v35, $0x4;
	v5 =	vadd.f32 v6, v5;
	v7 =	vor.u32 v28, v7;
	[tilespmem:v22+s22+$0x0] =	vst.idx.add.f32.msk $0xffff, v23  }
0x7b: {  	v2 =	vadd.f32 v57, v2;
	[tilespmem:v27+s22+$0x0] =	vst.idx.add.f32.msk $0xffff, v3;
	v3 =	vor.u32 v59, v35  }
0x7c: {  	v6 =	vmul.f32 v34, v24;
	v4 =	vadd.f32 v20, v4;
	[tilespmem:v30+s22+$0x0] =	vst.idx.add.f32.msk $0xffff, v60  }
0x7d: {  	[tilespmem:v50+s22+$0x0] =	vst.idx.add.f32.msk $0xffff, v2  }
0x7e: {  	v63 =	vadd.f32 v51, v6;
	[tilespmem:v1+s22+$0x0] =	vst.idx.add.f32.msk $0xffff, v4  }
0x7f: {  	s0 =	simm.s32 $0x8;
	[tilespmem:v7+s22+$0x0] =	vst.idx.add.f32.msk $0xffff, v5  }
0x80: {  	s24 =	simm.s32 $0x80;
	s5 =	simm.s32 $0xF0;
	s25 =	simm.s32 $0x8280;
	[tilespmem:v3+s22+$0x0] =	vst.idx.add.f32.msk $0xffff, v63  }
.LBB2_4:
0x81: {  	s4 =	sadd.s32 $0xFFFFFF90, s5  }
0x82: {  	v1 =	vld [tilespmem:s24+$0x0];
	s6 =	sadd.s32 $0xFFFFFFA0, s5;
	s31 =	sadd.s32 $0x80, s31;
	s26 =	smov.u32 s0  }
0x83: {  	s19 =	sand.u32 $0x7F00, s4;
	v2 =	vld [tilespmem:s25+$0x0];
	s4 =	sand.u32 $0x90, s6;
	s6 =	sadd.s32 $0xFFFFFFB0, s5  }
0x84: {  	v3 =	vld [tilespmem:s31+$0x0];
	s20 =	sor.u32 s19, s4;
	s4 =	sand.u32 $0xA0, s6;
	s6 =	sadd.s32 $0xFFFFFFC0, s5  }
0x85: {  	s21 =	sadd.s32 $0xFFFFFFD0, s5;
	v20 =	vld [tilespmem:s20+$0x0];
	s4 =	sor.u32 s19, s4;
	s6 =	sand.u32 $0xB0, s6  }
0x86: {  	s29 =	sadd.s32 $0xFFFFFFE0, s5;
	s21 =	sand.u32 $0xC0, s21;
	v4 =	vld [tilespmem:s4+$0x0];
	s6 =	sor.u32 s19, s6  }
0x87: {  	v5 =	vadd.s32 s0, v0;
	s12 =	sadd.s32 $0xFFFFFFF0, s5;
	s29 =	sand.u32 $0xD0, s29;
	s21 =	sor.u32 s19, s21;
	v6 =	vld [tilespmem:s4+$0x4100]  }
0x88: {  	p1 =	slt.u32 s0, $0x408;
	v5 =	vand.u32 $0x8, v5;
	s12 =	sand.u32 $0xE0, s12;
	v2 =	vshll.u32 v2, $0x4;
	v7 =	vld [tilespmem:s4+$0x8200];
	s4 =	sor.u32 s19, s29  }
0x89: {  	s0 =	sadd.s32 $0x8, s0;
	s12 =	sor.u32 s19, s12;
	s29 =	sand.u32 $0xF0, s5;
	v2 =	vor.u32 v5, v2;
	v5 =	vld [tilespmem:s20+$0x8200]  }
0x8a: {  	s19 =	sor.u32 s19, s29;
	v16 =	vld [tilespmem:s20+$0x4100]  }
0x8b: {  	v21 =	vld [tilespmem:s21+$0x0]  }
0x8c: {  	v22 =	vld [tilespmem:s6+$0x8200]  }
0x8d: {  	v7 =	vshll.u32 v7, $0x4;
	v23 =	vld [tilespmem:s6+$0x0]  }
0x8e: {  	v5 =	vshll.u32 v5, $0x4;
	v24 =	vld [tilespmem:s19+$0x0]  }
0x8f: {  	v25 =	vld.idx.msk [tilespmem:v6+s14+$0x0], $0xffff  }
0x90: {  	v26 =	vld.idx.msk [tilespmem:v3+s16+$0x0], $0xffff  }
0x91: {  	s20 =	sadd.s32 $0x3, s26;
	v22 =	vshll.u32 v22, $0x4;
	v27 =	vld [tilespmem:s21+$0x8200]  }
0x92: {  	v28 =	vadd.s32 s20, v0;
	v3 =	vld.idx.msk [tilespmem:v3+s14+$0x0], $0xffff  }
0x93: {  	v28 =	vand.u32 $0xF, v28;
	v29 =	vld [tilespmem:s6+$0x4100]  }
0x94: {  	v22 =	vor.u32 v28, v22;
	v28 =	vld [tilespmem:s21+$0x4100]  }
0x95: {  	v30 =	vld [tilespmem:s4+$0x8200]  }
0x96: {  	v31 =	vld [tilespmem:s12+$0x0]  }
0x97: {  	v32 =	vld [tilespmem:s4+$0x4100]  }
0x98: {  	v1 =	vmul.f32 v3, v1;
	v3 =	vld [tilespmem:s12+$0x8200]  }
0x99: {  	v33 =	vld [tilespmem:s19+$0x4100]  }
0x9a: {  	s6 =	sadd.s32 $0x4, s26;
	v1 =	vadd.f32 v26, v1;
	v26 =	vshll.u32 v30, $0x4;
	v30 =	vld [tilespmem:s19+$0x8200]  }
0x9b: {  	v35 =	vadd.s32 s6, v0;
	v27 =	vshll.u32 v27, $0x4;
	v34 =	vld.idx.msk [tilespmem:v29+s14+$0x0], $0xffff  }
0x9c: {  	v35 =	vand.u32 $0xF, v35;
	v36 =	vld [tilespmem:s12+$0x4100]  }
0x9d: {  	v27 =	vor.u32 v35, v27;
	v35 =	vld [tilespmem:s4+$0x0];
	s4 =	sadd.s32 $0x6, s26;
	v3 =	vshll.u32 v3, $0x4  }
0x9e: {  	v37 =	vld.idx.msk [tilespmem:v28+s16+$0x0], $0xffff;
	v38 =	vadd.s32 s4, v0  }
0x9f: {  	v29 =	vld.idx.msk [tilespmem:v29+s16+$0x0], $0xffff;
	v38 =	vand.u32 $0xF, v38  }
0xa0: {  	v28 =	vld.idx.msk [tilespmem:v28+s14+$0x0], $0xffff;
	v3 =	vor.u32 v38, v3  }
0xa1: {  	v38 =	vld.idx.msk [tilespmem:v32+s14+$0x0], $0xffff  }
0xa2: {  	s4 =	sadd.s32 $0x5, s26;
	v32 =	vld.idx.msk [tilespmem:v32+s16+$0x0], $0xffff  }
0xa3: {  	v23 =	vmul.f32 v34, v23;
	v34 =	vadd.s32 s4, v0;
	v39 =	vld.idx.msk [tilespmem:v33+s16+$0x0], $0xffff  }
0xa4: {  	v30 =	vshll.u32 v30, $0x4;
	v34 =	vand.u32 $0xF, v34;
	v6 =	vld.idx.msk [tilespmem:v6+s16+$0x0], $0xffff  }
0xa5: {  	s4 =	sadd.s32 $0x2, s26;
	v26 =	vor.u32 v34, v26;
	v23 =	vadd.f32 v29, v23;
	v29 =	vld.idx.msk [tilespmem:v33+s14+$0x0], $0xffff  }
0xa6: {  	v33 =	vadd.s32 s4, v0;
	v21 =	vmul.f32 v28, v21;
	v28 =	vld.idx.msk [tilespmem:v36+s14+$0x0], $0xffff  }
0xa7: {  	v2 =	vor.u32 v8, v2;
	s4 =	sadd.s32 $0x7, s26;
	v33 =	vand.u32 $0xF, v33;
	v35 =	vmul.f32 v38, v35;
	v34 =	vld.idx.msk [tilespmem:v16+s14+$0x0], $0xffff  }
0xa8: {  	v7 =	vor.u32 v33, v7;
	v21 =	vadd.f32 v37, v21;
	v33 =	vld.idx.msk [tilespmem:v36+s16+$0x0], $0xffff;
	v36 =	vadd.s32 s4, v0  }
0xa9: {  	v4 =	vmul.f32 v25, v4;
	s4 =	sadd.s32 $0x1, s26;
	v25 =	vadd.f32 v32, v35;
	v16 =	vld.idx.msk [tilespmem:v16+s16+$0x0], $0xffff;
	v32 =	vand.u32 $0xF, v36  }
0xaa: {  	v35 =	vadd.s32 s4, v0;
	[tilespmem:v27+s22+$0x0] =	vst.idx.add.f32.msk $0xffff, v21;
	v21 =	vor.u32 v32, v30  }
0xab: {  	v4 =	vadd.f32 v6, v4;
	v27 =	vand.u32 $0xF, v35;
	v6 =	vmul.f32 v29, v24;
	[tilespmem:v22+s22+$0x0] =	vst.idx.add.f32.msk $0xffff, v23  }
0xac: {  	[tilespmem:v2+s22+$0x0] =	vst.idx.add.f32.msk $0xffff, v1;
	v1 =	vor.u32 v27, v5;
	v2 =	vmul.f32 v28, v31  }
.Ltmp1:
0xad: {  	v5 =	vmul.f32 v34, v20;
	[tilespmem:v7+s22+$0x0] =	vst.idx.add.f32.msk $0xffff, v4;
	v4 =	vadd.f32 v39, v6;
	(pc) =	sbr.rel @p1 .LBB2_4-.Ltmp1, $4  }
0xae: {  	[tilespmem:v26+s22+$0x0] =	vst.idx.add.f32.msk $0xffff, v25;
	v2 =	vadd.f32 v33, v2  }
0xaf: {  	v5 =	vadd.f32 v16, v5;
	[tilespmem:v21+s22+$0x0] =	vst.idx.add.f32.msk $0xffff, v4  }
0xb0: {  	[tilespmem:v3+s22+$0x0] =	vst.idx.add.f32.msk $0xffff, v2  }
0xb1: {  	s24 =	sadd.s32 $0x80, s24;
	s25 =	sadd.s32 $0x80, s25;
	s5 =	sadd.s32 $0x80, s5;
	[tilespmem:v1+s22+$0x0] =	vst.idx.add.f32.msk $0xffff, v5  }
0xb2: {  	_ =	swait.ge [sflag:s23], $0x4100  }
0xb3: {  	[sflag:s23] =	ssyncset.done $0x0  }
0xb4: {  	[sflag:s23] =	ssyncadd.s32 $0xFFFFBF00  }
0xb5: {  	_ =	swait.ge [sflag:s23], $0x4100  }
0xb6: {  	[sflag:s23] =	ssyncset.done $0x0  }
0xb7: {  	[sflag:s23] =	ssyncadd.s32 $0xFFFFBF00  }
0xb8: {  	_ =	swait.ge [sflag:s23], $0x4100  }
0xb9: {  	v1 =	vld [tilespmem:$0x1FF90];
	_ =	sdelay $0x2  }
0xba: {  	[sflag:s23] =	ssyncset.done $0x0  }
0xbb: {  	[sflag:s23] =	ssyncadd.s32 $0xFFFFBF00  }
0xbc: {  	[tilespmem:$0x18600] =	vst v1;
	v1 =	vld [tilespmem:$0x1FFA0];
	_ =	sdelay $0x4  }
0xbd: {  	[tilespmem:$0x18610] =	vst v1;
	v1 =	vld [tilespmem:$0x1FFB0];
	_ =	sdelay $0x4  }
0xbe: {  	[tilespmem:$0x18620] =	vst v1;
	v1 =	vld [tilespmem:$0x1FFC0];
	_ =	sdelay $0x4  }
0xbf: {  	[tilespmem:$0x18630] =	vst v1;
	v1 =	vld [tilespmem:$0x1FFD0];
	_ =	sdelay $0x4  }
0xc0: {  	s0 =	simm.s32 $0x0;
	[tilespmem:$0x18640] =	vst v1  }
0xc1: {  	[tilespmem:s0], [sflag:$0x1] =	stream.indirect.gather [hbm4b:s1+s10], $0x100, s11, s10, $0xb8;
	[tilespmem:$0x1CEA0] =	vst v63  }
0xc2: {  	s4 =	simm.s32 $0x4100  }
0xc3: {  	[tilespmem:s4], [sflag:$0x1] =	stream.indirect.gather [hbm4b:s2+s10], $0x100, s11, s10, $0xb8;
	[tilespmem:$0x1CEA0] =	vst v63  }
0xc4: {  	s19 =	simm.s32 $0xC300  }
0xc5: {  	[tilespmem:s13], [sflag:$0x1] =	stream.indirect.gather [hbm4b:s3+s10], $0x100, s11, s10, $0xb8;
	[tilespmem:$0x1CEA0] =	vst v63  }
0xc6: {  	s5 =	simm.s32 $0x14500;
	s6 =	simm.s32 $0x0;
	s20 =	simm.s32 $0x10;
	v1 =	vld [tilespmem:s19+$0x0]  }
0xc7: {  	s31 =	simm.s32 $0x10400;
	s6 =	sand.u32 $0x7F00, s6;
	s4 =	sand.u32 $0x90, s20;
	v2 =	vld [tilespmem:s5+$0x0]  }
0xc8: {  	s4 =	sor.u32 s6, s4;
	v3 =	vld [tilespmem:s31+$0x0]  }
0xc9: {  	s12 =	simm.s32 $0x40;
	v4 =	vld [tilespmem:s4+$0xC300]  }
0xca: {  	s12 =	sand.u32 $0xC0, s12;
	v16 =	vld [tilespmem:s4+$0x14500]  }
0xcb: {  	s12 =	sor.u32 s6, s12;
	v20 =	vld [tilespmem:s4+$0x10400]  }
0xcc: {  	s21 =	simm.s32 $0x20;
	v21 =	vld [tilespmem:s12+$0xC300]  }
0xcd: {  	s5 =	sand.u32 $0xA0, s21;
	v27 =	vld [tilespmem:s12+$0x14500]  }
0xce: {  	v29 =	vld [tilespmem:s12+$0x10400];
	s5 =	sor.u32 s6, s5  }
0xcf: {  	s25 =	simm.s32 $0x70;
	v5 =	vld [tilespmem:s5+$0xC300]  }
0xd0: {  	s4 =	sand.u32 $0xF0, s25;
	v6 =	vld [tilespmem:s5+$0x10400]  }
0xd1: {  	s4 =	sor.u32 s6, s4;
	v7 =	vld [tilespmem:s5+$0x14500]  }
0xd2: {  	s19 =	simm.s32 $0x50;
	v24 =	vld [tilespmem:s4+$0xC300]  }
0xd3: {  	s19 =	sand.u32 $0xD0, s19;
	v34 =	vld [tilespmem:s4+$0x10400]  }
0xd4: {  	s26 =	sor.u32 s6, s19;
	v35 =	vld [tilespmem:s4+$0x14500]  }
0xd5: {  	s24 =	simm.s32 $0x30;
	v30 =	vld [tilespmem:s26+$0x14500]  }
0xd6: {  	s5 =	sand.u32 $0xB0, s24;
	v32 =	vld [tilespmem:s26+$0x10400]  }
0xd7: {  	s5 =	sor.u32 s6, s5;
	v39 =	vld [tilespmem:s26+$0xC300]  }
0xd8: {  	s20 =	simm.s32 $0x60;
	v22 =	vld [tilespmem:s5+$0x14500]  }
0xd9: {  	s29 =	sand.u32 $0xE0, s20;
	v23 =	vld [tilespmem:s5+$0xC300]  }
0xda: {  	s6 =	sor.u32 s6, s29;
	v28 =	vld [tilespmem:s5+$0x10400]  }
0xdb: {  	v31 =	vld [tilespmem:s6+$0xC300]  }
0xdc: {  	v33 =	vld [tilespmem:s6+$0x14500]  }
0xdd: {  	v37 =	vld [tilespmem:s6+$0x10400]  }
0xde: {  	v26 =	vld.idx.msk [tilespmem:v3+s16+$0x0], $0xffff  }
0xdf: {  	v3 =	vld.idx.msk [tilespmem:v3+s14+$0x0], $0xffff  }
0xe0: {  	v46 =	vld.idx.msk [tilespmem:v29+s14+$0x0], $0xffff  }
0xe1: {  	v56 =	vld.idx.msk [tilespmem:v20+s14+$0x0], $0xffff  }
0xe2: {  	v38 =	vadd.s32 s0, v0;
	v20 =	vld.idx.msk [tilespmem:v20+s16+$0x0], $0xffff  }
0xe3: {  	v38 =	vand.u32 $0x8, v38;
	s20 =	simm.s32 $0x4;
	s21 =	simm.s32 $0x6;
	s19 =	simm.s32 $0x3;
	v25 =	vld.idx.msk [tilespmem:v6+s14+$0x0], $0xffff  }
0xe4: {  	v47 =	vadd.s32 s20, v0;
	s25 =	simm.s32 $0x2;
	v48 =	vadd.s32 s21, v0;
	s24 =	simm.s32 $0x5;
	v40 =	vadd.s32 s19, v0;
	v51 =	vld.idx.msk [tilespmem:v34+s16+$0x0], $0xffff  }
0xe5: {  	v53 =	vadd.s32 s25, v0;
	v52 =	vadd.s32 s24, v0;
	s26 =	simm.s32 $0x7;
	s29 =	simm.s32 $0x1;
	v40 =	vand.u32 $0xF, v40;
	v6 =	vld.idx.msk [tilespmem:v6+s16+$0x0], $0xffff  }
0xe6: {  	v58 =	vadd.s32 s26, v0;
	v61 =	vadd.s32 s29, v0;
	v2 =	vshll.u32 v2, $0x4;
	v34 =	vld.idx.msk [tilespmem:v34+s14+$0x0], $0xffff  }
0xe7: {  	v27 =	vshll.u32 v27, $0x4;
	v16 =	vshll.u32 v16, $0x4;
	v59 =	vand.u32 $0xF, v58;
	v49 =	vld.idx.msk [tilespmem:v32+s14+$0x0], $0xffff  }
0xe8: {  	v62 =	vand.u32 $0xF, v61;
	v2 =	vor.u32 v38, v2;
	v38 =	vand.u32 $0xF, v48;
	v36 =	vld.idx.msk [tilespmem:v28+s14+$0x0], $0xffff  }
0xe9: {  	v7 =	vshll.u32 v7, $0x4;
	v2 =	vor.u32 v8, v2;
	v30 =	vshll.u32 v30, $0x4;
	v54 =	vld.idx.msk [tilespmem:v37+s14+$0x0], $0xffff  }
0xea: {  	v22 =	vshll.u32 v22, $0x4;
	v33 =	vshll.u32 v33, $0x4;
	v1 =	vmul.f32 v3, v1;
	v3 =	vld.idx.msk [tilespmem:v29+s16+$0x0], $0xffff  }
0xeb: {  	v22 =	vor.u32 v40, v22;
	v28 =	vld.idx.msk [tilespmem:v28+s16+$0x0], $0xffff;
	v29 =	vand.u32 $0xF, v47;
	v4 =	vmul.f32 v56, v4  }
0xec: {  	v50 =	vor.u32 v38, v33;
	v57 =	vld.idx.msk [tilespmem:v37+s16+$0x0], $0xffff;
	v27 =	vor.u32 v29, v27;
	v1 =	vadd.f32 v26, v1  }
0xed: {  	v32 =	vld.idx.msk [tilespmem:v32+s16+$0x0], $0xffff;
	v21 =	vmul.f32 v46, v21;
	v5 =	vmul.f32 v25, v5;
	v4 =	vadd.f32 v20, v4  }
0xee: {  	v55 =	vmul.f32 v49, v39;
	v23 =	vmul.f32 v36, v23;
	v36 =	vand.u32 $0xF, v52;
	[tilespmem:v2+s22+$0x0] =	vst.idx.add.f32.msk $0xffff, v1  }
0xef: {  	v1 =	vor.u32 v62, v16;
	v2 =	vmul.f32 v54, v31;
	v3 =	vadd.f32 v3, v21  }
0xf0: {  	v30 =	vor.u32 v36, v30;
	v23 =	vadd.f32 v28, v23;
	v28 =	vand.u32 $0xF, v53  }
0xf1: {  	v35 =	vshll.u32 v35, $0x4;
	v2 =	vadd.f32 v57, v2;
	v7 =	vor.u32 v28, v7;
	[tilespmem:v27+s22+$0x0] =	vst.idx.add.f32.msk $0xffff, v3  }
0xf2: {  	v5 =	vadd.f32 v6, v5;
	v3 =	vor.u32 v59, v35;
	[tilespmem:v22+s22+$0x0] =	vst.idx.add.f32.msk $0xffff, v23  }
0xf3: {  	v6 =	vmul.f32 v34, v24;
	v60 =	vadd.f32 v32, v55;
	[tilespmem:v50+s22+$0x0] =	vst.idx.add.f32.msk $0xffff, v2  }
0xf4: {  	[tilespmem:v1+s22+$0x0] =	vst.idx.add.f32.msk $0xffff, v4  }
0xf5: {  	v63 =	vadd.f32 v51, v6;
	[tilespmem:v30+s22+$0x0] =	vst.idx.add.f32.msk $0xffff, v60  }
0xf6: {  	s0 =	simm.s32 $0x8;
	[tilespmem:v7+s22+$0x0] =	vst.idx.add.f32.msk $0xffff, v5  }
0xf7: {  	s25 =	simm.s32 $0x14580;
	s24 =	simm.s32 $0xC380;
	s5 =	simm.s32 $0xF0;
	[tilespmem:v3+s22+$0x0] =	vst.idx.add.f32.msk $0xffff, v63  }
.LBB2_6:
0xf8: {  	s4 =	sadd.s32 $0xFFFFFF90, s5  }
0xf9: {  	v1 =	vld [tilespmem:s24+$0x0];
	s6 =	sadd.s32 $0xFFFFFFA0, s5;
	s31 =	sadd.s32 $0x80, s31;
	s26 =	smov.u32 s0  }
0xfa: {  	s12 =	sand.u32 $0x7F00, s4;
	v2 =	vld [tilespmem:s25+$0x0];
	s4 =	sand.u32 $0x90, s6;
	s6 =	sadd.s32 $0xFFFFFFB0, s5  }
0xfb: {  	v3 =	vld [tilespmem:s31+$0x0];
	s19 =	sor.u32 s12, s4;
	s4 =	sand.u32 $0xA0, s6;
	s6 =	sadd.s32 $0xFFFFFFC0, s5  }
0xfc: {  	s20 =	sadd.s32 $0xFFFFFFD0, s5;
	v20 =	vld [tilespmem:s19+$0xC300];
	s4 =	sor.u32 s12, s4;
	s6 =	sand.u32 $0xB0, s6  }
0xfd: {  	s21 =	sadd.s32 $0xFFFFFFE0, s5;
	s20 =	sand.u32 $0xC0, s20;
	v4 =	vld [tilespmem:s4+$0xC300];
	s6 =	sor.u32 s12, s6  }
0xfe: {  	v5 =	vadd.s32 s0, v0;
	s29 =	sadd.s32 $0xFFFFFFF0, s5;
	s21 =	sand.u32 $0xD0, s21;
	s20 =	sor.u32 s12, s20;
	v6 =	vld [tilespmem:s4+$0x10400]  }
0xff: {  	p1 =	slt.u32 s0, $0x408;
	v5 =	vand.u32 $0x8, v5;
	v2 =	vshll.u32 v2, $0x4;
	v7 =	vld [tilespmem:s4+$0x14500];
	s4 =	sor.u32 s12, s21;
	s21 =	sand.u32 $0xE0, s29  }
0x100: {  	s0 =	sadd.s32 $0x8, s0;
	s29 =	sand.u32 $0xF0, s5;
	v2 =	vor.u32 v5, v2;
	v5 =	vld [tilespmem:s19+$0x14500];
	s21 =	sor.u32 s12, s21  }
0x101: {  	s12 =	sor.u32 s12, s29;
	v16 =	vld [tilespmem:s19+$0x10400]  }
0x102: {  	v21 =	vld [tilespmem:s20+$0xC300]  }
0x103: {  	v22 =	vld [tilespmem:s6+$0x14500]  }
0x104: {  	v7 =	vshll.u32 v7, $0x4;
	v23 =	vld [tilespmem:s6+$0xC300]  }
0x105: {  	v5 =	vshll.u32 v5, $0x4;
	v24 =	vld [tilespmem:s12+$0xC300]  }
0x106: {  	v25 =	vld.idx.msk [tilespmem:v6+s14+$0x0], $0xffff  }
0x107: {  	v26 =	vld.idx.msk [tilespmem:v3+s16+$0x0], $0xffff  }
0x108: {  	s19 =	sadd.s32 $0x3, s26;
	v22 =	vshll.u32 v22, $0x4;
	v27 =	vld [tilespmem:s20+$0x14500]  }
0x109: {  	v28 =	vadd.s32 s19, v0;
	v3 =	vld.idx.msk [tilespmem:v3+s14+$0x0], $0xffff  }
0x10a: {  	v28 =	vand.u32 $0xF, v28;
	v29 =	vld [tilespmem:s6+$0x10400]  }
0x10b: {  	v22 =	vor.u32 v28, v22;
	v28 =	vld [tilespmem:s20+$0x10400]  }
0x10c: {  	v30 =	vld [tilespmem:s4+$0x14500]  }
0x10d: {  	v31 =	vld [tilespmem:s21+$0xC300]  }
0x10e: {  	v32 =	vld [tilespmem:s4+$0x10400]  }
0x10f: {  	v1 =	vmul.f32 v3, v1;
	v3 =	vld [tilespmem:s21+$0x14500]  }
0x110: {  	v33 =	vld [tilespmem:s12+$0x10400]  }
0x111: {  	s6 =	sadd.s32 $0x4, s26;
	v1 =	vadd.f32 v26, v1;
	v26 =	vshll.u32 v30, $0x4;
	v30 =	vld [tilespmem:s12+$0x14500]  }
0x112: {  	v35 =	vadd.s32 s6, v0;
	v27 =	vshll.u32 v27, $0x4;
	v34 =	vld.idx.msk [tilespmem:v29+s14+$0x0], $0xffff  }
0x113: {  	v35 =	vand.u32 $0xF, v35;
	v36 =	vld [tilespmem:s21+$0x10400]  }
0x114: {  	v27 =	vor.u32 v35, v27;
	v35 =	vld [tilespmem:s4+$0xC300];
	s4 =	sadd.s32 $0x6, s26;
	v3 =	vshll.u32 v3, $0x4  }
0x115: {  	v37 =	vld.idx.msk [tilespmem:v28+s16+$0x0], $0xffff;
	v38 =	vadd.s32 s4, v0  }
0x116: {  	v29 =	vld.idx.msk [tilespmem:v29+s16+$0x0], $0xffff;
	v38 =	vand.u32 $0xF, v38  }
0x117: {  	v28 =	vld.idx.msk [tilespmem:v28+s14+$0x0], $0xffff;
	v3 =	vor.u32 v38, v3  }
0x118: {  	v38 =	vld.idx.msk [tilespmem:v32+s14+$0x0], $0xffff  }
0x119: {  	s4 =	sadd.s32 $0x5, s26;
	v32 =	vld.idx.msk [tilespmem:v32+s16+$0x0], $0xffff  }
0x11a: {  	v23 =	vmul.f32 v34, v23;
	v34 =	vadd.s32 s4, v0;
	v39 =	vld.idx.msk [tilespmem:v33+s16+$0x0], $0xffff  }
0x11b: {  	v30 =	vshll.u32 v30, $0x4;
	v34 =	vand.u32 $0xF, v34;
	v6 =	vld.idx.msk [tilespmem:v6+s16+$0x0], $0xffff  }
0x11c: {  	s4 =	sadd.s32 $0x2, s26;
	v26 =	vor.u32 v34, v26;
	v23 =	vadd.f32 v29, v23;
	v29 =	vld.idx.msk [tilespmem:v33+s14+$0x0], $0xffff  }
0x11d: {  	v33 =	vadd.s32 s4, v0;
	v21 =	vmul.f32 v28, v21;
	v28 =	vld.idx.msk [tilespmem:v36+s14+$0x0], $0xffff  }
0x11e: {  	v2 =	vor.u32 v8, v2;
	s4 =	sadd.s32 $0x7, s26;
	v33 =	vand.u32 $0xF, v33;
	v35 =	vmul.f32 v38, v35;
	v34 =	vld.idx.msk [tilespmem:v16+s14+$0x0], $0xffff  }
0x11f: {  	v7 =	vor.u32 v33, v7;
	v21 =	vadd.f32 v37, v21;
	v33 =	vld.idx.msk [tilespmem:v36+s16+$0x0], $0xffff;
	v36 =	vadd.s32 s4, v0  }
0x120: {  	v4 =	vmul.f32 v25, v4;
	s4 =	sadd.s32 $0x1, s26;
	v25 =	vadd.f32 v32, v35;
	v16 =	vld.idx.msk [tilespmem:v16+s16+$0x0], $0xffff;
	v32 =	vand.u32 $0xF, v36  }
0x121: {  	v35 =	vadd.s32 s4, v0;
	[tilespmem:v27+s22+$0x0] =	vst.idx.add.f32.msk $0xffff, v21;
	v21 =	vor.u32 v32, v30  }
0x122: {  	v4 =	vadd.f32 v6, v4;
	v27 =	vand.u32 $0xF, v35;
	v6 =	vmul.f32 v29, v24;
	[tilespmem:v22+s22+$0x0] =	vst.idx.add.f32.msk $0xffff, v23  }
0x123: {  	[tilespmem:v2+s22+$0x0] =	vst.idx.add.f32.msk $0xffff, v1;
	v1 =	vor.u32 v27, v5;
	v2 =	vmul.f32 v28, v31  }
.Ltmp2:
0x124: {  	v5 =	vmul.f32 v34, v20;
	[tilespmem:v7+s22+$0x0] =	vst.idx.add.f32.msk $0xffff, v4;
	v4 =	vadd.f32 v39, v6;
	(pc) =	sbr.rel @p1 .LBB2_6-.Ltmp2, $4  }
0x125: {  	[tilespmem:v26+s22+$0x0] =	vst.idx.add.f32.msk $0xffff, v25;
	v2 =	vadd.f32 v33, v2  }
0x126: {  	v5 =	vadd.f32 v16, v5;
	[tilespmem:v21+s22+$0x0] =	vst.idx.add.f32.msk $0xffff, v4  }
0x127: {  	[tilespmem:v3+s22+$0x0] =	vst.idx.add.f32.msk $0xffff, v2  }
0x128: {  	s24 =	sadd.s32 $0x80, s24;
	s25 =	sadd.s32 $0x80, s25;
	s5 =	sadd.s32 $0x80, s5;
	[tilespmem:v1+s22+$0x0] =	vst.idx.add.f32.msk $0xffff, v5  }
0x129: {  	_ =	swait.ge [sflag:s17], $0x4100  }
0x12a: {  	[sflag:s17] =	ssyncset.done $0x0  }
0x12b: {  	[sflag:s17] =	ssyncadd.s32 $0xFFFFBF00  }
0x12c: {  	_ =	swait.ge [sflag:s17], $0x4100  }
0x12d: {  	[sflag:s17] =	ssyncset.done $0x0  }
0x12e: {  	[sflag:s17] =	ssyncadd.s32 $0xFFFFBF00  }
0x12f: {  	_ =	swait.ge [sflag:s17], $0x4100  }
0x130: {  	s0 =	simm.s32 $0x0;
	[sflag:s17] =	ssyncset.done $0x0  }
0x131: {  	s31 =	simm.s32 $0x4100;
	s4 =	simm.s32 $0x8200;
	[sflag:s17] =	ssyncadd.s32 $0xFFFFBF00  }
0x132: {  	s5 =	simm.s32 $0x0;
	s6 =	simm.s32 $0x10;
	s21 =	simm.s32 $0x20;
	v1 =	vld [tilespmem:s0+$0x0]  }
0x133: {  	s5 =	sand.u32 $0x7F00, s5;
	s20 =	sand.u32 $0x90, s6;
	s6 =	sand.u32 $0xA0, s21;
	v2 =	vld [tilespmem:s4+$0x0]  }
0x134: {  	s6 =	sor.u32 s5, s6;
	v3 =	vld [tilespmem:s31+$0x0]  }
0x135: {  	s12 =	simm.s32 $0x40;
	v5 =	vld [tilespmem:s6+$0x0]  }
0x136: {  	s12 =	sand.u32 $0xC0, s12;
	v6 =	vld [tilespmem:s6+$0x4100]  }
0x137: {  	s12 =	sor.u32 s5, s12;
	v7 =	vld [tilespmem:s6+$0x8200]  }
0x138: {  	s19 =	simm.s32 $0x50;
	v21 =	vld [tilespmem:s12+$0x0]  }
0x139: {  	s19 =	sand.u32 $0xD0, s19;
	v27 =	vld [tilespmem:s12+$0x8200]  }
0x13a: {  	s26 =	sor.u32 s5, s19;
	v29 =	vld [tilespmem:s12+$0x4100]  }
0x13b: {  	v30 =	vld [tilespmem:s26+$0x8200]  }
0x13c: {  	v32 =	vld [tilespmem:s26+$0x4100]  }
0x13d: {  	s4 =	sor.u32 s5, s20;
	v39 =	vld [tilespmem:s26+$0x0]  }
0x13e: {  	s24 =	simm.s32 $0x30;
	v4 =	vld [tilespmem:s4+$0x0]  }
0x13f: {  	s6 =	sand.u32 $0xB0, s24;
	v16 =	vld [tilespmem:s4+$0x8200]  }
0x140: {  	v20 =	vld [tilespmem:s4+$0x4100];
	s6 =	sor.u32 s5, s6  }
0x141: {  	s25 =	simm.s32 $0x70;
	v22 =	vld [tilespmem:s6+$0x8200]  }
0x142: {  	s20 =	simm.s32 $0x60;
	s4 =	sand.u32 $0xF0, s25;
	v23 =	vld [tilespmem:s6+$0x0]  }
0x143: {  	s29 =	sand.u32 $0xE0, s20;
	s4 =	sor.u32 s5, s4;
	v28 =	vld [tilespmem:s6+$0x4100]  }
0x144: {  	s5 =	sor.u32 s5, s29;
	v24 =	vld [tilespmem:s4+$0x0]  }
0x145: {  	v31 =	vld [tilespmem:s5+$0x0]  }
0x146: {  	v33 =	vld [tilespmem:s5+$0x8200]  }
0x147: {  	v34 =	vld [tilespmem:s4+$0x4100]  }
0x148: {  	v35 =	vld [tilespmem:s4+$0x8200]  }
0x149: {  	v37 =	vld [tilespmem:s5+$0x4100]  }
0x14a: {  	v25 =	vld.idx.msk [tilespmem:v6+s14+$0x0], $0xffff  }
0x14b: {  	v26 =	vld.idx.msk [tilespmem:v3+s16+$0x0], $0xffff  }
0x14c: {  	v3 =	vld.idx.msk [tilespmem:v3+s14+$0x0], $0xffff  }
0x14d: {  	s19 =	simm.s32 $0x3;
	v46 =	vld.idx.msk [tilespmem:v29+s14+$0x0], $0xffff  }
0x14e: {  	v38 =	vadd.s32 s0, v0;
	s21 =	simm.s32 $0x6;
	v40 =	vadd.s32 s19, v0;
	v49 =	vld.idx.msk [tilespmem:v32+s14+$0x0], $0xffff  }
0x14f: {  	v38 =	vand.u32 $0x8, v38;
	v48 =	vadd.s32 s21, v0;
	v40 =	vand.u32 $0xF, v40;
	s24 =	simm.s32 $0x5;
	s26 =	simm.s32 $0x7;
	s20 =	simm.s32 $0x4;
	v32 =	vld.idx.msk [tilespmem:v32+s16+$0x0], $0xffff  }
0x150: {  	v52 =	vadd.s32 s24, v0;
	s25 =	simm.s32 $0x2;
	v58 =	vadd.s32 s26, v0;
	v47 =	vadd.s32 s20, v0;
	s29 =	simm.s32 $0x1;
	v6 =	vld.idx.msk [tilespmem:v6+s16+$0x0], $0xffff  }
0x151: {  	v53 =	vadd.s32 s25, v0;
	v59 =	vand.u32 $0xF, v58;
	v61 =	vadd.s32 s29, v0;
	v56 =	vld.idx.msk [tilespmem:v20+s14+$0x0], $0xffff  }
0x152: {  	v62 =	vand.u32 $0xF, v61;
	v2 =	vshll.u32 v2, $0x4;
	v27 =	vshll.u32 v27, $0x4;
	v20 =	vld.idx.msk [tilespmem:v20+s16+$0x0], $0xffff  }
0x153: {  	v7 =	vshll.u32 v7, $0x4;
	v30 =	vshll.u32 v30, $0x4;
	v2 =	vor.u32 v38, v2;
	v36 =	vld.idx.msk [tilespmem:v28+s14+$0x0], $0xffff  }
0x154: {  	v38 =	vand.u32 $0xF, v48;
	v16 =	vshll.u32 v16, $0x4;
	v22 =	vshll.u32 v22, $0x4;
	v28 =	vld.idx.msk [tilespmem:v28+s16+$0x0], $0xffff  }
0x155: {  	v2 =	vor.u32 v8, v2;
	v22 =	vor.u32 v40, v22;
	v33 =	vshll.u32 v33, $0x4;
	v54 =	vld.idx.msk [tilespmem:v37+s14+$0x0], $0xffff  }
0x156: {  	v50 =	vor.u32 v38, v33;
	v1 =	vmul.f32 v3, v1;
	v3 =	vld.idx.msk [tilespmem:v29+s16+$0x0], $0xffff;
	v29 =	vand.u32 $0xF, v47  }
0x157: {  	v51 =	vld.idx.msk [tilespmem:v34+s16+$0x0], $0xffff;
	v21 =	vmul.f32 v46, v21;
	v55 =	vmul.f32 v49, v39;
	v27 =	vor.u32 v29, v27  }
0x158: {  	v57 =	vld.idx.msk [tilespmem:v37+s16+$0x0], $0xffff;
	v1 =	vadd.f32 v26, v1;
	v23 =	vmul.f32 v36, v23;
	v36 =	vand.u32 $0xF, v52  }
0x159: {  	v34 =	vld.idx.msk [tilespmem:v34+s14+$0x0], $0xffff;
	v5 =	vmul.f32 v25, v5;
	v4 =	vmul.f32 v56, v4;
	v30 =	vor.u32 v36, v30  }
0x15a: {  	v60 =	vadd.f32 v32, v55;
	v23 =	vadd.f32 v28, v23;
	v28 =	vand.u32 $0xF, v53;
	[tilespmem:v2+s22+$0x0] =	vst.idx.add.f32.msk $0xffff, v1  }
0x15b: {  	v1 =	vor.u32 v62, v16;
	v2 =	vmul.f32 v54, v31;
	v3 =	vadd.f32 v3, v21  }
0x15c: {  	v35 =	vshll.u32 v35, $0x4;
	v5 =	vadd.f32 v6, v5;
	v7 =	vor.u32 v28, v7;
	[tilespmem:v22+s22+$0x0] =	vst.idx.add.f32.msk $0xffff, v23  }
0x15d: {  	v2 =	vadd.f32 v57, v2;
	[tilespmem:v27+s22+$0x0] =	vst.idx.add.f32.msk $0xffff, v3;
	v3 =	vor.u32 v59, v35  }
0x15e: {  	v6 =	vmul.f32 v34, v24;
	v4 =	vadd.f32 v20, v4;
	[tilespmem:v30+s22+$0x0] =	vst.idx.add.f32.msk $0xffff, v60  }
0x15f: {  	[tilespmem:v50+s22+$0x0] =	vst.idx.add.f32.msk $0xffff, v2  }
0x160: {  	v63 =	vadd.f32 v51, v6;
	[tilespmem:v1+s22+$0x0] =	vst.idx.add.f32.msk $0xffff, v4  }
0x161: {  	s0 =	simm.s32 $0x8;
	[tilespmem:v7+s22+$0x0] =	vst.idx.add.f32.msk $0xffff, v5  }
0x162: {  	s24 =	simm.s32 $0x80;
	s25 =	simm.s32 $0x8280;
	s5 =	simm.s32 $0xF0;
	[tilespmem:v3+s22+$0x0] =	vst.idx.add.f32.msk $0xffff, v63  }
.LBB2_8:
0x163: {  	s4 =	sadd.s32 $0xFFFFFF90, s5  }
0x164: {  	v1 =	vld [tilespmem:s24+$0x0];
	s6 =	sadd.s32 $0xFFFFFFA0, s5;
	s31 =	sadd.s32 $0x80, s31;
	s26 =	smov.u32 s0  }
0x165: {  	s12 =	sand.u32 $0x7F00, s4;
	v2 =	vld [tilespmem:s25+$0x0];
	s4 =	sand.u32 $0x90, s6;
	s6 =	sadd.s32 $0xFFFFFFB0, s5  }
0x166: {  	v3 =	vld [tilespmem:s31+$0x0];
	s19 =	sor.u32 s12, s4;
	s4 =	sand.u32 $0xA0, s6;
	s6 =	sadd.s32 $0xFFFFFFC0, s5  }
0x167: {  	s20 =	sadd.s32 $0xFFFFFFD0, s5;
	v20 =	vld [tilespmem:s19+$0x0];
	s4 =	sor.u32 s12, s4;
	s6 =	sand.u32 $0xB0, s6  }
0x168: {  	s21 =	sadd.s32 $0xFFFFFFE0, s5;
	s20 =	sand.u32 $0xC0, s20;
	v4 =	vld [tilespmem:s4+$0x0];
	s6 =	sor.u32 s12, s6  }
0x169: {  	v5 =	vadd.s32 s0, v0;
	s29 =	sadd.s32 $0xFFFFFFF0, s5;
	s21 =	sand.u32 $0xD0, s21;
	s20 =	sor.u32 s12, s20;
	v6 =	vld [tilespmem:s4+$0x4100]  }
0x16a: {  	p1 =	slt.u32 s0, $0x408;
	v5 =	vand.u32 $0x8, v5;
	v2 =	vshll.u32 v2, $0x4;
	v7 =	vld [tilespmem:s4+$0x8200];
	s4 =	sor.u32 s12, s21;
	s21 =	sand.u32 $0xE0, s29  }
0x16b: {  	s0 =	sadd.s32 $0x8, s0;
	s29 =	sand.u32 $0xF0, s5;
	v2 =	vor.u32 v5, v2;
	v5 =	vld [tilespmem:s19+$0x8200];
	s21 =	sor.u32 s12, s21  }
0x16c: {  	s12 =	sor.u32 s12, s29;
	v16 =	vld [tilespmem:s19+$0x4100]  }
0x16d: {  	v21 =	vld [tilespmem:s20+$0x0]  }
0x16e: {  	v22 =	vld [tilespmem:s6+$0x8200]  }
0x16f: {  	v7 =	vshll.u32 v7, $0x4;
	v23 =	vld [tilespmem:s6+$0x0]  }
0x170: {  	v5 =	vshll.u32 v5, $0x4;
	v24 =	vld [tilespmem:s12+$0x0]  }
0x171: {  	v25 =	vld.idx.msk [tilespmem:v6+s14+$0x0], $0xffff  }
0x172: {  	v26 =	vld.idx.msk [tilespmem:v3+s16+$0x0], $0xffff  }
0x173: {  	s19 =	sadd.s32 $0x3, s26;
	v22 =	vshll.u32 v22, $0x4;
	v27 =	vld [tilespmem:s20+$0x8200]  }
0x174: {  	v28 =	vadd.s32 s19, v0;
	v3 =	vld.idx.msk [tilespmem:v3+s14+$0x0], $0xffff  }
0x175: {  	v28 =	vand.u32 $0xF, v28;
	v29 =	vld [tilespmem:s6+$0x4100]  }
0x176: {  	v22 =	vor.u32 v28, v22;
	v28 =	vld [tilespmem:s20+$0x4100]  }
0x177: {  	v30 =	vld [tilespmem:s4+$0x8200]  }
0x178: {  	v31 =	vld [tilespmem:s21+$0x0]  }
0x179: {  	v32 =	vld [tilespmem:s4+$0x4100]  }
0x17a: {  	v1 =	vmul.f32 v3, v1;
	v3 =	vld [tilespmem:s21+$0x8200]  }
0x17b: {  	v33 =	vld [tilespmem:s12+$0x4100]  }
0x17c: {  	s6 =	sadd.s32 $0x4, s26;
	v1 =	vadd.f32 v26, v1;
	v26 =	vshll.u32 v30, $0x4;
	v30 =	vld [tilespmem:s12+$0x8200]  }
0x17d: {  	v35 =	vadd.s32 s6, v0;
	v27 =	vshll.u32 v27, $0x4;
	v34 =	vld.idx.msk [tilespmem:v29+s14+$0x0], $0xffff  }
0x17e: {  	v35 =	vand.u32 $0xF, v35;
	v36 =	vld [tilespmem:s21+$0x4100]  }
0x17f: {  	v27 =	vor.u32 v35, v27;
	v35 =	vld [tilespmem:s4+$0x0];
	s4 =	sadd.s32 $0x6, s26;
	v3 =	vshll.u32 v3, $0x4  }
0x180: {  	v37 =	vld.idx.msk [tilespmem:v28+s16+$0x0], $0xffff;
	v38 =	vadd.s32 s4, v0  }
0x181: {  	v29 =	vld.idx.msk [tilespmem:v29+s16+$0x0], $0xffff;
	v38 =	vand.u32 $0xF, v38  }
0x182: {  	v28 =	vld.idx.msk [tilespmem:v28+s14+$0x0], $0xffff;
	v3 =	vor.u32 v38, v3  }
0x183: {  	v38 =	vld.idx.msk [tilespmem:v32+s14+$0x0], $0xffff  }
0x184: {  	s4 =	sadd.s32 $0x5, s26;
	v32 =	vld.idx.msk [tilespmem:v32+s16+$0x0], $0xffff  }
0x185: {  	v23 =	vmul.f32 v34, v23;
	v34 =	vadd.s32 s4, v0;
	v39 =	vld.idx.msk [tilespmem:v33+s16+$0x0], $0xffff  }
0x186: {  	v30 =	vshll.u32 v30, $0x4;
	v34 =	vand.u32 $0xF, v34;
	v6 =	vld.idx.msk [tilespmem:v6+s16+$0x0], $0xffff  }
0x187: {  	s4 =	sadd.s32 $0x2, s26;
	v26 =	vor.u32 v34, v26;
	v23 =	vadd.f32 v29, v23;
	v29 =	vld.idx.msk [tilespmem:v33+s14+$0x0], $0xffff  }
0x188: {  	v33 =	vadd.s32 s4, v0;
	v21 =	vmul.f32 v28, v21;
	v28 =	vld.idx.msk [tilespmem:v36+s14+$0x0], $0xffff  }
0x189: {  	v2 =	vor.u32 v8, v2;
	s4 =	sadd.s32 $0x7, s26;
	v33 =	vand.u32 $0xF, v33;
	v35 =	vmul.f32 v38, v35;
	v34 =	vld.idx.msk [tilespmem:v16+s14+$0x0], $0xffff  }
0x18a: {  	v7 =	vor.u32 v33, v7;
	v21 =	vadd.f32 v37, v21;
	v33 =	vld.idx.msk [tilespmem:v36+s16+$0x0], $0xffff;
	v36 =	vadd.s32 s4, v0  }
0x18b: {  	v4 =	vmul.f32 v25, v4;
	s4 =	sadd.s32 $0x1, s26;
	v25 =	vadd.f32 v32, v35;
	v16 =	vld.idx.msk [tilespmem:v16+s16+$0x0], $0xffff;
	v32 =	vand.u32 $0xF, v36  }
0x18c: {  	v35 =	vadd.s32 s4, v0;
	[tilespmem:v27+s22+$0x0] =	vst.idx.add.f32.msk $0xffff, v21;
	v21 =	vor.u32 v32, v30  }
0x18d: {  	v4 =	vadd.f32 v6, v4;
	v27 =	vand.u32 $0xF, v35;
	v6 =	vmul.f32 v29, v24;
	[tilespmem:v22+s22+$0x0] =	vst.idx.add.f32.msk $0xffff, v23  }
0x18e: {  	[tilespmem:v2+s22+$0x0] =	vst.idx.add.f32.msk $0xffff, v1;
	v1 =	vor.u32 v27, v5;
	v2 =	vmul.f32 v28, v31  }
.Ltmp3:
0x18f: {  	v5 =	vmul.f32 v34, v20;
	[tilespmem:v7+s22+$0x0] =	vst.idx.add.f32.msk $0xffff, v4;
	v4 =	vadd.f32 v39, v6;
	(pc) =	sbr.rel @p1 .LBB2_8-.Ltmp3, $4  }
0x190: {  	[tilespmem:v26+s22+$0x0] =	vst.idx.add.f32.msk $0xffff, v25;
	v2 =	vadd.f32 v33, v2  }
0x191: {  	v5 =	vadd.f32 v16, v5;
	[tilespmem:v21+s22+$0x0] =	vst.idx.add.f32.msk $0xffff, v4  }
0x192: {  	[tilespmem:v3+s22+$0x0] =	vst.idx.add.f32.msk $0xffff, v2  }
0x193: {  	s24 =	sadd.s32 $0x80, s24;
	s25 =	sadd.s32 $0x80, s25;
	s5 =	sadd.s32 $0x80, s5;
	[tilespmem:v1+s22+$0x0] =	vst.idx.add.f32.msk $0xffff, v5  }
.Ltmp4:
0x194: {  	(pc) =	sbr.rel @p0 .LBB2_12-.Ltmp4, $1  }
0x195: {  	_ =	sdelay $0x3  }
0x196: {  	v1 =	vld [tilespmem:$0x1FFE0];
	_ =	sdelay $0x4  }
0x197: {  	s0 =	simm.s32 $0x186A0;
	[tilespmem:$0x18600] =	vst v1  }
0x198: {  	[tilespmem:s0], [sflag:$0x3] =	stream.indirect.gather [hbm4b:s1+s17], $0x100, s11, s17, $0xb8;
	[tilespmem:$0x1CEA0] =	vst v63  }
0x199: {  	s29 =	simm.s32 $0x187A0  }
0x19a: {  	[tilespmem:s29], [sflag:$0x3] =	stream.indirect.gather [hbm4b:s2+s17], $0x100, s11, s17, $0xb8;
	[tilespmem:$0x1CEA0] =	vst v63  }
0x19b: {  	s31 =	simm.s32 $0x188A0  }
0x19c: {  	[tilespmem:s31], [sflag:$0x3] =	stream.indirect.gather [hbm4b:s3+s17], $0x100, s11, s17, $0xb8;
	[tilespmem:$0x1CEA0] =	vst v63  }
0x19d: {  	_ =	swait.ge [sflag:s28], $0x100  }
0x19e: {  	[sflag:s28] =	ssyncset.done $0x0  }
0x19f: {  	[sflag:s28] =	ssyncadd.s32 $0xFFFFFF00  }
0x1a0: {  	_ =	swait.ge [sflag:s28], $0x100  }
0x1a1: {  	[sflag:s28] =	ssyncset.done $0x0  }
0x1a2: {  	[sflag:s28] =	ssyncadd.s32 $0xFFFFFF00  }
0x1a3: {  	_ =	swait.ge [sflag:s28], $0x100  }
0x1a4: {  	[sflag:s28] =	ssyncset.done $0x0  }
0x1a5: {  	p1 =	por $0x1, $0x1;
	s0 =	simm.s32 $0x0;
	[sflag:s28] =	ssyncadd.s32 $0xFFFFFF00  }
.LBB2_11:
0x1a6: {  	s4 =	sshll.u32 s0, $0x4  }
0x1a7: {  	v1 =	vld [tilespmem:s4+$0x187A0]  }
0x1a8: {  	s5 =	sor.u32 $0x1, s0;
	v3 =	vld [tilespmem:s4+$0x186A0]  }
0x1a9: {  	s6 =	sshll.u32 s5, $0x4;
	v4 =	vld [tilespmem:s4+$0x188A0]  }
0x1aa: {  	v2 =	vld [tilespmem:s6+$0x187A0]  }
0x1ab: {  	s21 =	sor.u32 $0x4, s0;
	v6 =	vld [tilespmem:s6+$0x188A0]  }
0x1ac: {  	s24 =	sshll.u32 s21, $0x4;
	v16 =	vld [tilespmem:s6+$0x186A0]  }
0x1ad: {  	v45 =	vld [tilespmem:s24+$0x186A0]  }
0x1ae: {  	s19 =	sor.u32 $0x5, s0;
	v21 =	vld [tilespmem:s24+$0x187A0]  }
0x1af: {  	s25 =	sshll.u32 s19, $0x4;
	v22 =	vld [tilespmem:s24+$0x188A0]  }
0x1b0: {  	v23 =	vld [tilespmem:s25+$0x186A0]  }
0x1b1: {  	s29 =	sor.u32 $0x7, s0;
	v24 =	vld [tilespmem:s25+$0x187A0]  }
0x1b2: {  	v7 =	vadd.s32 s0, v0;
	s31 =	sshll.u32 s29, $0x4;
	v25 =	vld [tilespmem:s25+$0x188A0]  }
0x1b3: {  	v7 =	vand.u32 $0x8, v7;
	s6 =	sor.u32 $0x3, s0;
	v29 =	vld [tilespmem:s31+$0x187A0];
	v4 =	vshll.u32 v4, $0x4  }
0x1b4: {  	v54 =	vld [tilespmem:s31+$0x186A0];
	s12 =	sshll.u32 s6, $0x4;
	v4 =	vor.u32 v7, v4;
	v7 =	vadd.s32 s5, v0  }
0x1b5: {  	v41 =	vshll.u32 v6, $0x4;
	v6 =	vand.u32 $0xF, v7;
	v7 =	vld [tilespmem:s12+$0x188A0]  }
0x1b6: {  	v5 =	vld.idx.msk [tilespmem:v1+s14+$0x0], $0xffff  }
0x1b7: {  	v1 =	vld.idx.msk [tilespmem:v1+s16+$0x0], $0xffff  }
0x1b8: {  	v20 =	vld.idx.msk [tilespmem:v2+s14+$0x0], $0xffff  }
0x1b9: {  	v2 =	vld.idx.msk [tilespmem:v2+s16+$0x0], $0xffff  }
0x1ba: {  	v30 =	vld.idx.msk [tilespmem:v21+s14+$0x0], $0xffff  }
0x1bb: {  	v4 =	vor.u32 v8, v4;
	v46 =	vld.idx.msk [tilespmem:v21+s16+$0x0], $0xffff  }
0x1bc: {  	v34 =	vld.idx.msk [tilespmem:v24+s14+$0x0], $0xffff;
	v3 =	vmul.f32 v5, v3  }
0x1bd: {  	s4 =	sor.u32 $0x2, s0;
	v57 =	vld.idx.msk [tilespmem:v29+s14+$0x0], $0xffff  }
0x1be: {  	s20 =	sshll.u32 s4, $0x4;
	v29 =	vld.idx.msk [tilespmem:v29+s16+$0x0], $0xffff;
	v5 =	vor.u32 v6, v41;
	v1 =	vadd.f32 v1, v3  }
0x1bf: {  	v6 =	vld [tilespmem:s20+$0x187A0];
	v3 =	vmul.f32 v20, v16  }
0x1c0: {  	[tilespmem:v4+s22+$0x0] =	vst.idx.add.f32.msk $0xffff, v1  }
0x1c1: {  	v1 =	vadd.f32 v2, v3;
	v2 =	vld [tilespmem:s12+$0x187A0]  }
0x1c2: {  	v3 =	vld [tilespmem:s20+$0x188A0]  }
0x1c3: {  	v47 =	vadd.s32 s6, v0;
	[tilespmem:v5+s22+$0x0] =	vst.idx.add.f32.msk $0xffff, v1  }
0x1c4: {  	v21 =	vand.u32 $0xF, v47;
	v7 =	vshll.u32 v7, $0x4;
	v1 =	vld [tilespmem:s20+$0x186A0];
	s20 =	sor.u32 $0x6, s0  }
0x1c5: {  	v51 =	vor.u32 v21, v7;
	v7 =	vld [tilespmem:s31+$0x188A0];
	s26 =	sshll.u32 s20, $0x4  }
0x1c6: {  	v26 =	vld [tilespmem:s26+$0x187A0]  }
0x1c7: {  	v42 =	vld.idx.msk [tilespmem:v6+s14+$0x0], $0xffff  }
0x1c8: {  	v43 =	vld.idx.msk [tilespmem:v6+s16+$0x0], $0xffff  }
0x1c9: {  	v6 =	vld [tilespmem:s12+$0x186A0]  }
0x1ca: {  	v31 =	vadd.s32 s4, v0;
	v44 =	vld.idx.msk [tilespmem:v2+s14+$0x0], $0xffff  }
0x1cb: {  	v32 =	vadd.s32 s21, v0;
	v49 =	vand.u32 $0xF, v31;
	v28 =	vld [tilespmem:s26+$0x188A0];
	v3 =	vshll.u32 v3, $0x4  }
0x1cc: {  	v33 =	vadd.s32 s19, v0;
	v53 =	vand.u32 $0xF, v32;
	v27 =	vld [tilespmem:s26+$0x186A0];
	v3 =	vor.u32 v49, v3  }
0x1cd: {  	v56 =	vand.u32 $0xF, v33;
	v55 =	vshll.u32 v25, $0x4;
	v2 =	vld.idx.msk [tilespmem:v2+s16+$0x0], $0xffff;
	v1 =	vmul.f32 v42, v1  }
0x1ce: {  	v52 =	vshll.u32 v22, $0x4;
	v21 =	vor.u32 v56, v55;
	v23 =	vmul.f32 v34, v23;
	v50 =	vld.idx.msk [tilespmem:v26+s14+$0x0], $0xffff  }
0x1cf: {  	v59 =	vadd.s32 s20, v0;
	v1 =	vadd.f32 v43, v1;
	v48 =	vmul.f32 v44, v6;
	v6 =	vld.idx.msk [tilespmem:v24+s16+$0x0], $0xffff  }
0x1d0: {  	v16 =	vor.u32 v53, v52;
	v28 =	vshll.u32 v28, $0x4;
	v58 =	vld.idx.msk [tilespmem:v26+s16+$0x0], $0xffff;
	v26 =	vand.u32 $0xF, v59  }
0x1d1: {  	v60 =	vadd.s32 s29, v0;
	v20 =	vmul.f32 v30, v45;
	[tilespmem:v3+s22+$0x0] =	vst.idx.add.f32.msk $0xffff, v1;
	v1 =	vor.u32 v26, v28  }
0x1d2: {  	v3 =	vshll.u32 v7, $0x4;
	v7 =	vand.u32 $0xF, v60;
	v2 =	vadd.f32 v2, v48  }
0x1d3: {  	p2 =	por p1, p1;
	v4 =	vadd.f32 v46, v20;
	v3 =	vor.u32 v7, v3;
	v61 =	vmul.f32 v50, v27  }
.Ltmp5:
0x1d4: {  	v62 =	vmul.f32 v57, v54;
	[tilespmem:v51+s22+$0x0] =	vst.idx.add.f32.msk $0xffff, v2;
	v2 =	vadd.f32 v6, v23;
	(pc) =	sbr.rel @p2 .LBB2_11-.Ltmp5, $4  }
0x1d5: {  	[tilespmem:v16+s22+$0x0] =	vst.idx.add.f32.msk $0xffff, v4;
	v63 =	vadd.f32 v58, v61  }
0x1d6: {  	[tilespmem:v21+s22+$0x0] =	vst.idx.add.f32.msk $0xffff, v2;
	v2 =	vadd.f32 v29, v62  }
0x1d7: {  	[tilespmem:v1+s22+$0x0] =	vst.idx.add.f32.msk $0xffff, v63  }
0x1d8: {  	p1 =	por $0x0, $0x0;
	s0 =	simm.s32 $0x8;
	[tilespmem:v3+s22+$0x0] =	vst.idx.add.f32.msk $0xffff, v2  }
.LBB2_12:
0x1d9: {  	s0 =	simm.s32 $0x30  }
0x1da: {  	s4 =	simm.s32 $0x10;
	v1 =	vmov s0  }
0x1db: {  	s26 =	simm.s32 $0x20;
	v2 =	vmov s4;
	v1 =	vshll.u32 v1, $0x4  }
0x1dc: {  	s29 =	simm.s32 $0x0;
	v3 =	vmov s26;
	v2 =	vshll.u32 v2, $0x4;
	v1 =	vor.u32 v11, v1  }
0x1dd: {  	v5 =	vmov s29;
	v3 =	vshll.u32 v3, $0x4;
	v25 =	vor.u32 v11, v2  }
0x1de: {  	v5 =	vshll.u32 v5, $0x4;
	v26 =	vor.u32 v11, v3  }
0x1df: {  	v27 =	vor.u32 v11, v5  }
0x1e0: {  	v2 =	vor.u32 $0x1, v1  }
0x1e1: {  	v4 =	vor.u32 $0x1, v25;
	v5 =	vld.idx.msk [tilespmem:v1+s22+$0x0], $0xffff  }
0x1e2: {  	v3 =	vor.u32 $0x2, v1;
	v23 =	vld.idx.msk [tilespmem:v25+s22+$0x0], $0xffff  }
0x1e3: {  	v6 =	vor.u32 $0x1, v26;
	v29 =	vld.idx.msk [tilespmem:v26+s22+$0x0], $0xffff  }
0x1e4: {  	v7 =	vor.u32 $0x3, v1;
	v32 =	vld.idx.msk [tilespmem:v27+s22+$0x0], $0xffff  }
0x1e5: {  	v16 =	vor.u32 $0x1, v27;
	v2 =	vld.idx.msk [tilespmem:v2+s22+$0x0], $0xffff  }
0x1e6: {  	v20 =	vor.u32 $0x4, v1;
	v4 =	vld.idx.msk [tilespmem:v4+s22+$0x0], $0xffff  }
0x1e7: {  	v21 =	vor.u32 $0x5, v1;
	v3 =	vld.idx.msk [tilespmem:v3+s22+$0x0], $0xffff  }
0x1e8: {  	v22 =	vor.u32 $0x6, v1;
	v6 =	vld.idx.msk [tilespmem:v6+s22+$0x0], $0xffff  }
0x1e9: {  	v24 =	vor.u32 $0x7, v1;
	v7 =	vld.idx.msk [tilespmem:v7+s22+$0x0], $0xffff  }
0x1ea: {  	v28 =	vor.u32 $0x2, v25;
	v16 =	vld.idx.msk [tilespmem:v16+s22+$0x0], $0xffff  }
0x1eb: {  	v30 =	vor.u32 $0x8, v1;
	v20 =	vld.idx.msk [tilespmem:v20+s22+$0x0], $0xffff  }
0x1ec: {  	v31 =	vor.u32 $0x2, v26;
	v21 =	vld.idx.msk [tilespmem:v21+s22+$0x0], $0xffff  }
0x1ed: {  	v33 =	vor.u32 $0x9, v1;
	v22 =	vld.idx.msk [tilespmem:v22+s22+$0x0], $0xffff  }
0x1ee: {  	v34 =	vor.u32 $0x2, v27;
	v24 =	vld.idx.msk [tilespmem:v24+s22+$0x0], $0xffff  }
0x1ef: {  	v35 =	vor.u32 $0xA, v1;
	v28 =	vld.idx.msk [tilespmem:v28+s22+$0x0], $0xffff  }
0x1f0: {  	v36 =	vor.u32 $0x3, v25;
	v30 =	vld.idx.msk [tilespmem:v30+s22+$0x0], $0xffff  }
0x1f1: {  	v37 =	vor.u32 $0xB, v1;
	v31 =	vld.idx.msk [tilespmem:v31+s22+$0x0], $0xffff  }
0x1f2: {  	v38 =	vor.u32 $0x3, v26;
	v33 =	vld.idx.msk [tilespmem:v33+s22+$0x0], $0xffff  }
0x1f3: {  	v39 =	vor.u32 $0xC, v1;
	v34 =	vld.idx.msk [tilespmem:v34+s22+$0x0], $0xffff  }
0x1f4: {  	v41 =	vor.u32 $0xD, v1;
	v35 =	vld.idx.msk [tilespmem:v35+s22+$0x0], $0xffff  }
0x1f5: {  	v43 =	vor.u32 $0xE, v1;
	v36 =	vld.idx.msk [tilespmem:v36+s22+$0x0], $0xffff  }
0x1f6: {  	v45 =	vor.u32 $0x5, v25;
	v37 =	vld.idx.msk [tilespmem:v37+s22+$0x0], $0xffff  }
0x1f7: {  	v46 =	vor.u32 $0x5, v27;
	v38 =	vld.idx.msk [tilespmem:v38+s22+$0x0], $0xffff  }
0x1f8: {  	v49 =	vor.u32 $0x7, v27;
	v39 =	vld.idx.msk [tilespmem:v39+s22+$0x0], $0xffff  }
0x1f9: {  	v50 =	vor.u32 $0x8, v25;
	v41 =	vld.idx.msk [tilespmem:v41+s22+$0x0], $0xffff;
	v2 =	vadd.f32 v2, v5  }
0x1fa: {  	v1 =	vor.u32 $0xF, v1;
	v43 =	vld.idx.msk [tilespmem:v43+s22+$0x0], $0xffff  }
0x1fb: {  	v40 =	vor.u32 $0x3, v27;
	v45 =	vld.idx.msk [tilespmem:v45+s22+$0x0], $0xffff;
	v2 =	vadd.f32 v3, v2  }
0x1fc: {  	v59 =	vor.u32 $0xB, v27;
	v46 =	vld.idx.msk [tilespmem:v46+s22+$0x0], $0xffff  }
0x1fd: {  	v42 =	vor.u32 $0x4, v25;
	v55 =	vld.idx.msk [tilespmem:v49+s22+$0x0], $0xffff;
	v2 =	vadd.f32 v7, v2  }
0x1fe: {  	v48 =	vor.u32 $0x7, v25;
	v0 =	vld.idx.msk [tilespmem:v50+s22+$0x0], $0xffff  }
0x1ff: {  	v44 =	vor.u32 $0x4, v26;
	v47 =	vld.idx.msk [tilespmem:v1+s22+$0x0], $0xffff;
	v2 =	vadd.f32 v20, v2  }
0x200: {  	v1 =	vor.u32 $0x6, v26;
	v5 =	vld.idx.msk [tilespmem:v40+s22+$0x0], $0xffff;
	v4 =	vadd.f32 v4, v23  }
0x201: {  	v56 =	vor.u32 $0xA, v26;
	v16 =	vadd.f32 v16, v32;
	v32 =	vld.idx.msk [tilespmem:v59+s22+$0x0], $0xffff;
	v2 =	vadd.f32 v21, v2  }
0x202: {  	v61 =	vor.u32 $0x4, v27;
	v3 =	vld.idx.msk [tilespmem:v42+s22+$0x0], $0xffff  }
0x203: {  	v63 =	vor.u32 $0x6, v25;
	v4 =	vadd.f32 v28, v4;
	v28 =	vld.idx.msk [tilespmem:v48+s22+$0x0], $0xffff;
	v2 =	vadd.f32 v22, v2  }
0x204: {  	v62 =	vor.u32 $0x5, v26;
	v7 =	vld.idx.msk [tilespmem:v44+s22+$0x0], $0xffff  }
0x205: {  	v12 =	vor.u32 $0x6, v27;
	v23 =	vor.u32 $0x9, v25;
	v1 =	vld.idx.msk [tilespmem:v1+s22+$0x0], $0xffff;
	v2 =	vadd.f32 v24, v2  }
0x206: {  	v13 =	vor.u32 $0x7, v26;
	v6 =	vadd.f32 v6, v29;
	v4 =	vadd.f32 v36, v4;
	v36 =	vld.idx.msk [tilespmem:v56+s22+$0x0], $0xffff  }
0x207: {  	v14 =	vor.u32 $0x8, v26;
	v29 =	vor.u32 $0x9, v27;
	v20 =	vld.idx.msk [tilespmem:v61+s22+$0x0], $0xffff;
	v2 =	vadd.f32 v30, v2  }
0x208: {  	v51 =	vor.u32 $0x8, v27;
	v6 =	vadd.f32 v31, v6;
	v16 =	vadd.f32 v34, v16;
	v22 =	vld.idx.msk [tilespmem:v63+s22+$0x0], $0xffff  }
0x209: {  	v54 =	vor.u32 $0x9, v26;
	v3 =	vadd.f32 v3, v4;
	v21 =	vld.idx.msk [tilespmem:v62+s22+$0x0], $0xffff;
	v2 =	vadd.f32 v33, v2  }
0x20a: {  	v57 =	vor.u32 $0xA, v27;
	v6 =	vadd.f32 v38, v6;
	v5 =	vadd.f32 v5, v16;
	v23 =	vld.idx.msk [tilespmem:v23+s22+$0x0], $0xffff  }
0x20b: {  	v31 =	vor.u32 $0xA, v25;
	v3 =	vadd.f32 v45, v3;
	v24 =	vld.idx.msk [tilespmem:v12+s22+$0x0], $0xffff;
	v2 =	vadd.f32 v35, v2  }
0x20c: {  	v58 =	vor.u32 $0xB, v25;
	v29 =	vld.idx.msk [tilespmem:v29+s22+$0x0], $0xffff;
	v6 =	vadd.f32 v7, v6;
	v5 =	vadd.f32 v20, v5  }
0x20d: {  	v60 =	vor.u32 $0xB, v26;
	v30 =	vld.idx.msk [tilespmem:v13+s22+$0x0], $0xffff;
	v3 =	vadd.f32 v22, v3;
	v2 =	vadd.f32 v37, v2  }
0x20e: {  	v8 =	vor.u32 $0xD, v25;
	v4 =	vld.idx.msk [tilespmem:v14+s22+$0x0], $0xffff;
	v6 =	vadd.f32 v21, v6;
	v5 =	vadd.f32 v46, v5  }
0x20f: {  	v62 =	vor.u32 $0xC, v25;
	v7 =	vld.idx.msk [tilespmem:v51+s22+$0x0], $0xffff;
	v3 =	vadd.f32 v28, v3;
	v2 =	vadd.f32 v39, v2  }
0x210: {  	v1 =	vadd.f32 v1, v6;
	v6 =	vld.idx.msk [tilespmem:v31+s22+$0x0], $0xffff;
	v31 =	vor.u32 $0xC, v27;
	v5 =	vadd.f32 v24, v5  }
0x211: {  	v34 =	vor.u32 $0xD, v26;
	v61 =	vld.idx.msk [tilespmem:v54+s22+$0x0], $0xffff;
	v3 =	vadd.f32 v0, v3;
	v2 =	vadd.f32 v41, v2  }
0x212: {  	v16 =	vld.idx.msk [tilespmem:v58+s22+$0x0], $0xffff;
	v63 =	vor.u32 $0xC, v26;
	v1 =	vadd.f32 v30, v1;
	v5 =	vadd.f32 v55, v5  }
0x213: {  	v22 =	vor.u32 $0xE, v25;
	v30 =	vld.idx.msk [tilespmem:v57+s22+$0x0], $0xffff;
	v3 =	vadd.f32 v23, v3;
	v2 =	vadd.f32 v43, v2  }
0x214: {  	v25 =	vor.u32 $0xF, v25;
	v35 =	vld.idx.msk [tilespmem:v62+s22+$0x0], $0xffff;
	v4 =	vadd.f32 v4, v1;
	v5 =	vadd.f32 v7, v5  }
0x215: {  	v0 =	vor.u32 $0xE, v26;
	v31 =	vld.idx.msk [tilespmem:v31+s22+$0x0], $0xffff;
	v3 =	vadd.f32 v6, v3;
	v7 =	vadd.f32 v47, v2  }
0x216: {  	v26 =	vor.u32 $0xF, v26;
	v1 =	vld.idx.msk [tilespmem:v60+s22+$0x0], $0xffff;
	v2 =	vadd.f32 v61, v4;
	v4 =	vadd.f32 v29, v5  }
0x217: {  	s31 =	simm.s32 $0x1CAC0;
	v23 =	vor.u32 $0xE, v27;
	v39 =	vor.u32 $0xD, v27;
	v53 =	vadd.f32 v16, v3;
	v29 =	vld.idx.msk [tilespmem:v63+s22+$0x0], $0xffff  }
0x218: {  	s5 =	simm.s32 $0x40;
	s0 =	simm.s32 $0x0;
	v27 =	vor.u32 $0xF, v27;
	v2 =	vadd.f32 v36, v2;
	[tilespmem:s31+$0x10] =	vst v7;
	v5 =	vadd.f32 v30, v4;
	v30 =	vld.idx.msk [tilespmem:v8+s22+$0x0], $0xffff  }
.LBB2_13:
0x219: {  	_ =	sdelay $0x2  }
0x21a: {  	v3 =	vmov s5;
	s4 =	sadd.s32 $0x10, s5;
	s6 =	sadd.s32 $0x30, s5;
	v51 =	vld.idx.msk [tilespmem:v34+s22+$0x0], $0xffff;
	v6 =	vadd.f32 v1, v2  }
0x21b: {  	s29 =	sadd.s32 $0x20, s5;
	v55 =	vld.idx.msk [tilespmem:v39+s22+$0x0], $0xffff;
	v1 =	vshll.u32 v3, $0x4;
	v2 =	vmov s4;
	v3 =	vmov s6  }
0x21c: {  	v56 =	vld.idx.msk [tilespmem:v22+s22+$0x0], $0xffff;
	v4 =	vmov s29;
	v2 =	vshll.u32 v2, $0x4;
	v3 =	vshll.u32 v3, $0x4  }
0x21d: {  	v57 =	vld.idx.msk [tilespmem:v0+s22+$0x0], $0xffff;
	v8 =	vor.u32 v11, v2;
	v2 =	vshll.u32 v4, $0x4;
	v16 =	vor.u32 v11, v3  }
0x21e: {  	v58 =	vld.idx.msk [tilespmem:v23+s22+$0x0], $0xffff;
	v9 =	vor.u32 v11, v1;
	v10 =	vor.u32 v11, v2;
	v2 =	vor.u32 $0x1, v16  }
0x21f: {  	v60 =	vld.idx.msk [tilespmem:v25+s22+$0x0], $0xffff;
	v5 =	vadd.f32 v32, v5;
	v20 =	vor.u32 $0x1, v9  }
0x220: {  	v62 =	vld.idx.msk [tilespmem:v26+s22+$0x0], $0xffff;
	v23 =	vor.u32 $0x2, v16  }
0x221: {  	v63 =	vld.idx.msk [tilespmem:v27+s22+$0x0], $0xffff;
	v5 =	vadd.f32 v31, v5;
	v21 =	vor.u32 $0x1, v10  }
0x222: {  	v27 =	vor.u32 $0x3, v16;
	v24 =	vld.idx.msk [tilespmem:v16+s22+$0x0], $0xffff  }
0x223: {  	v5 =	vadd.f32 v55, v5;
	v26 =	vor.u32 $0x2, v9;
	v33 =	vld.idx.msk [tilespmem:v2+s22+$0x0], $0xffff  }
0x224: {  	v13 =	vor.u32 $0x3, v9;
	v0 =	vor.u32 $0x9, v9;
	v34 =	vor.u32 $0x4, v16;
	v17 =	vld.idx.msk [tilespmem:v20+s22+$0x0], $0xffff  }
0x225: {  	v1 =	vor.u32 $0xA, v9;
	v3 =	vor.u32 $0x1, v8;
	v22 =	vor.u32 $0x2, v8;
	v23 =	vld.idx.msk [tilespmem:v23+s22+$0x0], $0xffff  }
0x226: {  	v40 =	vmovc v11;
	v11 =	vor.u32 $0x3, v8;
	v14 =	vor.u32 $0x4, v8;
	v18 =	vld.idx.msk [tilespmem:v21+s22+$0x0], $0xffff;
	v21 =	vor.u32 $0x5, v16  }
0x227: {  	v36 =	vor.u32 $0x5, v8;
	v37 =	vor.u32 $0x6, v8;
	[tilespmem:$0x1FE70] =	vst v0;
	v20 =	vor.u32 $0x6, v16;
	v27 =	vld.idx.msk [tilespmem:v27+s22+$0x0], $0xffff  }
0x228: {  	v54 =	vor.u32 $0x7, v8;
	[tilespmem:$0x1FE80] =	vst v1;
	v1 =	vor.u32 $0xB, v8;
	v0 =	vld.idx.msk [tilespmem:v8+s22+$0x0], $0xffff;
	v24 =	vadd.f32 v33, v24  }
0x229: {  	v48 =	vor.u32 $0x8, v8;
	v43 =	vor.u32 $0x9, v8;
	[tilespmem:$0x1FE90] =	vst v1;
	v1 =	vor.u32 $0xB, v9;
	v19 =	vld.idx.msk [tilespmem:v34+s22+$0x0], $0xffff  }
0x22a: {  	v28 =	vor.u32 $0x7, v16;
	[tilespmem:$0x1FEA0] =	vst v1;
	v1 =	vld.idx.msk [tilespmem:v10+s22+$0x0], $0xffff;
	v2 =	vor.u32 $0xC, v8;
	v23 =	vadd.f32 v23, v24  }
0x22b: {  	v44 =	vor.u32 $0xA, v8;
	v38 =	vor.u32 $0xA, v16;
	[tilespmem:$0x1FEB0] =	vst v2;
	v2 =	vor.u32 $0xC, v10;
	v21 =	vld.idx.msk [tilespmem:v21+s22+$0x0], $0xffff  }
0x22c: {  	[tilespmem:$0x1FEC0] =	vst v2;
	v24 =	vor.u32 $0x8, v16;
	v23 =	vadd.f32 v27, v23;
	v27 =	vld.idx.msk [tilespmem:v20+s22+$0x0], $0xffff;
	v20 =	vor.u32 $0xC, v9  }
0x22d: {  	v25 =	vor.u32 $0x2, v10;
	v12 =	vor.u32 $0x3, v10;
	v15 =	vld.idx.msk [tilespmem:v3+s22+$0x0], $0xffff;
	[tilespmem:$0x1FED0] =	vst v20;
	v20 =	vor.u32 $0xD, v8  }
0x22e: {  	v7 =	vor.u32 $0x4, v10;
	v2 =	vld.idx.msk [tilespmem:v9+s22+$0x0], $0xffff;
	[tilespmem:$0x1FEE0] =	vst v20;
	v20 =	vor.u32 $0x9, v16;
	v19 =	vadd.f32 v19, v23  }
0x22f: {  	v61 =	vor.u32 $0x6, v10;
	v50 =	vor.u32 $0x7, v10;
	v45 =	vor.u32 $0x8, v10;
	v28 =	vld.idx.msk [tilespmem:v28+s22+$0x0], $0xffff  }
0x230: {  	v46 =	vor.u32 $0x9, v10;
	v41 =	vor.u32 $0xA, v10;
	v33 =	vld.idx.msk [tilespmem:v22+s22+$0x0], $0xffff;
	v19 =	vadd.f32 v21, v19  }
0x231: {  	v42 =	vor.u32 $0xB, v10;
	v22 =	vor.u32 $0xE, v8;
	v1 =	vadd.f32 v18, v1;
	v21 =	vld.idx.msk [tilespmem:v24+s22+$0x0], $0xffff  }
0x232: {  	v18 =	vld.idx.msk [tilespmem:v25+s22+$0x0], $0xffff;
	v25 =	vor.u32 $0xF, v8;
	v24 =	vor.u32 $0xB, v16;
	v8 =	vadd.f32 v27, v19  }
0x233: {  	v3 =	vor.u32 $0x5, v10;
	v34 =	vor.u32 $0xD, v10;
	v2 =	vadd.f32 v17, v2;
	v19 =	vld.idx.msk [tilespmem:v20+s22+$0x0], $0xffff  }
0x234: {  	v17 =	vld.idx.msk [tilespmem:v26+s22+$0x0], $0xffff;
	v20 =	vadd.f32 v35, v53;
	v53 =	vor.u32 $0xC, v16;
	v8 =	vadd.f32 v28, v8  }
0x235: {  	v15 =	vadd.f32 v15, v0;
	v0 =	vor.u32 $0xE, v10;
	v26 =	vor.u32 $0xF, v10;
	v10 =	vld.idx.msk [tilespmem:v38+s22+$0x0], $0xffff  }
0x236: {  	v4 =	vor.u32 $0x4, v9;
	v35 =	vor.u32 $0xD, v16;
	v8 =	vadd.f32 v21, v8  }
0x237: {  	v59 =	vor.u32 $0x5, v9;
	v52 =	vor.u32 $0x6, v9;
	v38 =	vor.u32 $0xE, v16;
	v21 =	vld.idx.msk [tilespmem:v24+s22+$0x0], $0xffff  }
0x238: {  	v49 =	vor.u32 $0x7, v9;
	v6 =	vadd.f32 v29, v6;
	v11 =	vld.idx.msk [tilespmem:v11+s22+$0x0], $0xffff;
	v8 =	vadd.f32 v19, v8  }
0x239: {  	v47 =	vor.u32 $0x8, v9;
	v39 =	vor.u32 $0xD, v9;
	v5 =	vadd.f32 v58, v5;
	v53 =	vld.idx.msk [tilespmem:v53+s22+$0x0], $0xffff  }
0x23a: {  	v6 =	vadd.f32 v51, v6;
	v13 =	vld.idx.msk [tilespmem:v13+s22+$0x0], $0xffff;
	v16 =	vor.u32 $0xF, v16;
	v8 =	vadd.f32 v10, v8  }
0x23b: {  	v23 =	vor.u32 $0xE, v9;
	v27 =	vor.u32 $0xF, v9;
	v9 =	vadd.f32 v33, v15;
	v10 =	vld.idx.msk [tilespmem:v35+s22+$0x0], $0xffff  }
0x23c: {  	v6 =	vadd.f32 v57, v6;
	v58 =	vld.idx.msk [tilespmem:v38+s22+$0x0], $0xffff;
	v8 =	vadd.f32 v21, v8  }
0x23d: {  	v5 =	vadd.f32 v63, v5;
	v9 =	vadd.f32 v11, v9;
	v11 =	vld.idx.msk [tilespmem:v14+s22+$0x0], $0xffff  }
0x23e: {  	v4 =	vld.idx.msk [tilespmem:v4+s22+$0x0], $0xffff;
	v6 =	vadd.f32 v62, v6;
	v8 =	vadd.f32 v53, v8  }
0x23f: {  	v2 =	vadd.f32 v17, v2;
	v20 =	vadd.f32 v30, v20;
	v62 =	vld.idx.msk [tilespmem:v16+s22+$0x0], $0xffff  }
0x240: {  	v8 =	vadd.f32 v10, v8  }
0x241: {  	v12 =	vld.idx.msk [tilespmem:v12+s22+$0x0], $0xffff;
	[tilespmem:s31+$0xFFFFFFE0] =	vst v5;
	v2 =	vadd.f32 v13, v2;
	v56 =	vadd.f32 v56, v20  }
0x242: {  	v5 =	vadd.f32 v11, v9;
	v9 =	vld.idx.msk [tilespmem:v59+s22+$0x0], $0xffff;
	v8 =	vadd.f32 v58, v8  }
0x243: {  	v7 =	vld.idx.msk [tilespmem:v7+s22+$0x0], $0xffff;
	v60 =	vadd.f32 v60, v56  }
0x244: {  	[tilespmem:s31+$0x0] =	vst v6;
	v2 =	vadd.f32 v4, v2;
	v4 =	vld.idx.msk [tilespmem:v52+s22+$0x0], $0xffff;
	v8 =	vadd.f32 v62, v8  }
0x245: {  	[tilespmem:s31+$0xFFFFFFF0] =	vst v60;
	s31 =	sadd.s32 $0x40, s31  }
0x246: {  	[tilespmem:s31+$0x10] =	vst v8;
	v8 =	vld.idx.msk [tilespmem:v49+s22+$0x0], $0xffff  }
0x247: {  	v2 =	vadd.f32 v9, v2;
	_ =	sdelay $0x1  }
0x248: {  	v2 =	vadd.f32 v4, v2;
	_ =	sdelay $0x1  }
0x249: {  	v2 =	vadd.f32 v8, v2;
	v8 =	vld [tilespmem:$0x1FE70];
	_ =	sdelay $0x5  }
0x24a: {  	v4 =	vld.idx.msk [tilespmem:v47+s22+$0x0], $0xffff;
	_ =	sdelay $0x1  }
0x24b: {  	v8 =	vld.idx.msk [tilespmem:v8+s22+$0x0], $0xffff;
	_ =	sdelay $0x2  }
0x24c: {  	v1 =	vadd.f32 v18, v1;
	v2 =	vadd.f32 v4, v2  }
0x24d: {  	v3 =	vld.idx.msk [tilespmem:v3+s22+$0x0], $0xffff  }
0x24e: {  	v1 =	vadd.f32 v12, v1;
	v8 =	vadd.f32 v8, v2;
	v2 =	vld [tilespmem:$0x1FEA0];
	_ =	sdelay $0x1  }
0x24f: {  	v1 =	vadd.f32 v7, v1;
	v7 =	vld.idx.msk [tilespmem:v61+s22+$0x0], $0xffff;
	_ =	sdelay $0x2  }
0x250: {  	v1 =	vadd.f32 v3, v1  }
0x251: {  	v3 =	vld.idx.msk [tilespmem:v50+s22+$0x0], $0xffff  }
0x252: {  	v1 =	vadd.f32 v7, v1;
	v7 =	vld.idx.msk [tilespmem:v45+s22+$0x0], $0xffff  }
0x253: {  	v32 =	vld.idx.msk [tilespmem:v2+s22+$0x0], $0xffff  }
0x254: {  	v2 =	vld [tilespmem:$0x1FEB0];
	_ =	sdelay $0x1  }
0x255: {  	v1 =	vadd.f32 v3, v1;
	v3 =	vld.idx.msk [tilespmem:v46+s22+$0x0], $0xffff;
	_ =	sdelay $0x1  }
0x256: {  	v1 =	vadd.f32 v7, v1;
	v7 =	vld.idx.msk [tilespmem:v41+s22+$0x0], $0xffff;
	_ =	sdelay $0x1  }
0x257: {  	v6 =	vld.idx.msk [tilespmem:v36+s22+$0x0], $0xffff  }
0x258: {  	v3 =	vadd.f32 v3, v1;
	v10 =	vld.idx.msk [tilespmem:v37+s22+$0x0], $0xffff  }
0x259: {  	v35 =	vld.idx.msk [tilespmem:v2+s22+$0x0], $0xffff  }
0x25a: {  	v2 =	vadd.f32 v7, v3;
	v3 =	vld [tilespmem:$0x1FEC0];
	_ =	sdelay $0x1  }
0x25b: {  	v5 =	vadd.f32 v6, v5;
	v6 =	vld.idx.msk [tilespmem:v54+s22+$0x0], $0xffff;
	_ =	sdelay $0x2  }
0x25c: {  	v9 =	vld.idx.msk [tilespmem:v48+s22+$0x0], $0xffff;
	v5 =	vadd.f32 v10, v5;
	_ =	sdelay $0x1  }
0x25d: {  	v5 =	vadd.f32 v6, v5;
	v6 =	vld.idx.msk [tilespmem:v43+s22+$0x0], $0xffff  }
0x25e: {  	v29 =	vld.idx.msk [tilespmem:v3+s22+$0x0], $0xffff  }
0x25f: {  	v3 =	vld [tilespmem:$0x1FED0]  }
0x260: {  	v5 =	vadd.f32 v9, v5;
	_ =	sdelay $0x1  }
0x261: {  	v5 =	vadd.f32 v6, v5;
	v6 =	vld [tilespmem:$0x1FE90]  }
0x262: {  	v4 =	vld [tilespmem:$0x1FE80];
	_ =	sdelay $0x3  }
0x263: {  	v31 =	vld.idx.msk [tilespmem:v3+s22+$0x0], $0xffff  }
0x264: {  	v3 =	vld [tilespmem:$0x1FEE0]  }
0x265: {  	v9 =	vld.idx.msk [tilespmem:v44+s22+$0x0], $0xffff  }
0x266: {  	s0 =	sadd.s32 $0x4, s0;
	v6 =	vld.idx.msk [tilespmem:v6+s22+$0x0], $0xffff  }
0x267: {  	p1 =	slt.u32 s0, $0x3C;
	v4 =	vld.idx.msk [tilespmem:v4+s22+$0x0], $0xffff  }
.Ltmp6:
0x268: {  	_ = 	snop;
	(pc) =	sbr.rel @p1 .LBB2_13-.Ltmp6, $4  }
0x269: {  	_ = 	snop  }
0x26a: {  	v9 =	vadd.f32 v9, v5  }
0x26b: {  	v1 =	vld.idx.msk [tilespmem:v42+s22+$0x0], $0xffff  }
0x26c: {  	s5 =	sadd.s32 $0x40, s5;
	v11 =	vmov v40;
	v53 =	vadd.f32 v6, v9;
	v5 =	vadd.f32 v4, v8;
	v30 =	vld.idx.msk [tilespmem:v3+s22+$0x0], $0xffff  }
0x26d: {  	_ =	sdelay $0x3  }
0x26e: {  	v3 =	vld.idx.msk [tilespmem:v34+s22+$0x0], $0xffff  }
0x26f: {  	v4 =	vld.idx.msk [tilespmem:v39+s22+$0x0], $0xffff  }
0x270: {  	v6 =	vld.idx.msk [tilespmem:v22+s22+$0x0], $0xffff  }
0x271: {  	v0 =	vld.idx.msk [tilespmem:v0+s22+$0x0], $0xffff;
	v1 =	vadd.f32 v1, v2  }
0x272: {  	v8 =	vld.idx.msk [tilespmem:v25+s22+$0x0], $0xffff;
	v5 =	vadd.f32 v32, v5;
	v7 =	vadd.f32 v35, v53  }
0x273: {  	v2 =	vld.idx.msk [tilespmem:v23+s22+$0x0], $0xffff;
	v1 =	vadd.f32 v29, v1  }
0x274: {  	v9 =	vld.idx.msk [tilespmem:v26+s22+$0x0], $0xffff;
	v5 =	vadd.f32 v31, v5;
	v7 =	vadd.f32 v30, v7  }
0x275: {  	v10 =	vld.idx.msk [tilespmem:v27+s22+$0x0], $0xffff;
	v1 =	vadd.f32 v3, v1  }
0x276: {  	v63 =	vadd.f32 v6, v7;
	v3 =	vadd.f32 v4, v5  }
0x277: {  	v0 =	vadd.f32 v0, v1  }
0x278: {  	v1 =	vadd.f32 v2, v3;
	v2 =	vadd.f32 v8, v63  }
0x279: {  	v0 =	vadd.f32 v9, v0  }
0x27a: {  	s30 =	sadd.s32 $0x1, s30;
	v1 =	vadd.f32 v10, v1;
	[tilespmem:s31+$0xFFFFFFF0] =	vst v2  }
0x27b: {  	p1 =	sne.s32 s30, s9;
	[tilespmem:s31+$0x0] =	vst v0  }
.Ltmp7:
0x27c: {  	s0 =	simm.s32 $0x1CAA0;
	[tilespmem:s31+$0xFFFFFFE0] =	vst v1;
	(pc) =	sbr.rel @p1 .LBB2_1-.Ltmp7, $4  }
0x27d: {  	[hbm4b:s8+s7] =	stream.linear.scatter [tilespmem:s0], [sflag:$0x4], $0x400, $0x38;
	[tilespmem:$0x1CEA0] =	vst v63  }
0x27e: {  	_ =	swait.ge [sflag:s15], $0x400  }
0x27f: {  	[sflag:s15] =	ssyncset.done $0x0  }
0x280: {  	v2 =	vimm.f32 $0.0e+00;
	v0 =	vlaneseq.u32;
	v8 =	vld [tilespmem:$0x1FFF0];
	[sflag:s15] =	ssyncadd.s32 $0xFFFFFC00  }
0x281: {  	_ =	sfence.sel $0x180000  }
0x282: {  	[bflag:$0x0] =	sbarrier.arrive $0xFFFF  }
0x283: {  	_ =	strace $0x90000047  }
0x284: {  	s0 =	stileid.u32;
	[bflag:$0x2] =	sbarrier.arrive $0xFFFF  }
0x285: {  	p0 =	sne.s32 s0, $0x0;
	s0 =	rddreg [dreg:$0x6]  }
0x286: {  	s0 =	sadd.s32 @!p0 $0x100000, s0  }
0x287: {  	[sflag:s0] =	ssyncadd.tile.s32 @!p0 $0x1;
	_ =	shalt  }
.Lfunc_end2:
_tile_overlayer_lowered:
.L_overlay_start_2:
0x288: {  	(tag) =	ssettag $0x2  }
0x289: {  	s0 =	rddreg [dreg:$0x0];
	s2 =	stileid.u32  }
0x28a: {  	s1 =	rddreg [dreg:$0x1];
	p0 =	sne.s32 s2, $0x0  }
0x28b: {  	s3 =	rddreg [dreg:$0x2];
	[bflag:$0x3] =	sbarrier.arrive $0xFFFF;
	s2 =	simm.s32 @!p0 $0x1C04  }
0x28c: {  	[timem:s3], [sflag:s2] =	dma.local @!p0 [hbm:s0], s1  }
0x28d: {  	s0 =	simm.s32 @!p0 $0x4  }
0x28e: {  	_ =	swait.ge @!p0 [sflag:s0], s1  }
0x28f: {  	s1 =	ssub.s32 @!p0 $0x0, s1;
	[sflag:s0] =	ssyncset.done @!p0 $0x0  }
0x290: {  	[sflag:s0] =	ssyncadd.s32 @!p0 s1  }
0x291: {  	[bflag:$0x3] =	sbarrier.arrive $0xFFFF  }
0x292: {  	_ =	shalt  }

</sc_bundles>
